<compile_context>
chip_gen: v7x
topology: tpu7x:2x2x1
jax: 0.10.2.dev20260603
libtpu: 0.0.44.dev20260713+nightly
codegen_flags: <defaults>
</compile_context>

<pallas_src>
import functools

import jax
import jax.numpy as jnp
from jax import lax
from jax.experimental import pallas as pl
from jax.experimental.pallas import tpu as pltpu
from jax.experimental.pallas import tpu_sc as plsc

N_NODES = 10000
N_EDGES = 320000
D_FEAT = 128
UNITS = 128

NC = 2
NS = 16
L = 16

D_HALF = UNITS // NC
EG = 100
GROUPS = N_EDGES // EG
GROUPS_PER_TILE = GROUPS // NS
KG = 40
MEGA = GROUPS_PER_TILE // KG
NODE_STEP = 624
NODE_BLK = 640
NSUB = 160
NQ = NODE_BLK // NSUB


def _splat(ref, *idxs):
    return plsc.load_gather(
        ref, [jnp.full((L,), i, jnp.int32) for i in idxs])


def _matmul_body(x_ref, w_ref, o_ref):
    o_ref[...] = jnp.dot(x_ref[...], w_ref[...],
                         preferred_element_type=jnp.float32)


def _tc_matmul(x, w):
    blk = 2000
    return pl.pallas_call(
        _matmul_body,
        grid=(N_NODES // blk,),
        in_specs=[
            pl.BlockSpec((blk, D_FEAT), lambda i: (i, 0)),
            pl.BlockSpec((D_FEAT, UNITS), lambda i: (0, 0)),
        ],
        out_specs=pl.BlockSpec((blk, UNITS), lambda i: (i, 0)),
        out_shape=jax.ShapeDtypeStruct((N_NODES, UNITS), jnp.float32),
    )(x, w)


EDGES_PER_TILE = N_EDGES // NS
EW = 4000
DEGW = EDGES_PER_TILE // EW


def _sc_body(h_hbm, row_hbm, col_hbm, w_hbm, rowf_hbm, wf_hbm,
             bias_hbm, out_hbm,
             g_sh, acc_sh, deg_sh,
             h_v, deg_v, dis_v, row_mk, col_mk, w_mk, rows_v0, rows_v1,
             scat_v0, scat_v1, g_bf, row_1d, w_1d,
             bias_v, sem_g0, sem_g1, sem_s0, sem_s1):
    c = lax.axis_index("c")
    s = lax.axis_index("s")
    nbase = s * NODE_STEP
    gbase = s * GROUPS_PER_TILE
    fbase = c * D_HALF

    _ns = jax.named_scope
    @pl.loop(0, NODE_BLK // L)
    def _(jj):
        deg_v[pl.ds(jj * L, L)] = jnp.full((L,), 1.0, jnp.float32)

    pltpu.sync_copy(deg_v, deg_sh.at[pl.ds(nbase, NODE_BLK)])
    plsc.subcore_barrier()

    ebase = s * EDGES_PER_TILE

    _p1 = _ns("phase1_deg"); _p1.__enter__()

    @pl.loop(0, DEGW)
    def _(mk):
        e0 = ebase + mk * EW
        pltpu.sync_copy(rowf_hbm.at[pl.ds(e0, EW)], row_1d)
        pltpu.sync_copy(wf_hbm.at[pl.ds(e0, EW)], w_1d)
        pltpu.sync_copy(w_1d, deg_sh.at[row_1d], add=True)

    _p1.__exit__(None, None, None)
    plsc.subcore_barrier()

    _p2 = _ns("phase2_rsqrt"); _p2.__enter__()
    pltpu.sync_copy(deg_sh.at[pl.ds(nbase, NODE_BLK)], deg_v)

    @plsc.parallel_loop(0, NODE_BLK // L, unroll=2)
    def _(jj):
        sl = pl.ds(jj * L, L)
        d = deg_v[sl]
        yi = jnp.int32(0x5F3759DF) - (lax.bitcast_convert_type(d, jnp.int32) >> 1)
        y = lax.bitcast_convert_type(yi, jnp.float32)
        for _ in range(3):
            y = y * (1.5 - 0.5 * d * y * y)
        dis_v[sl] = y

    _p2.__exit__(None, None, None)
    _p3 = _ns("phase3_stage"); _p3.__enter__()
    @pl.loop(0, NQ)
    def _(q):
        nb = nbase + q * NSUB
        pltpu.sync_copy(h_hbm.at[pl.ds(nb, NSUB), pl.ds(fbase, D_HALF)],
                        h_v)

        @plsc.parallel_loop(0, NSUB, unroll=2)
        def _(r):
            dsplat = _splat(dis_v, q * NSUB + r)
            gs = []
            for k in range(D_HALF // L):
                sl = pl.ds(k * L, L)
                v = h_v[r, sl] * dsplat
                h_v[r, sl] = v
                gs.append(v)
            for k2 in range(D_HALF // (2 * L)):
                g_bf[r, pl.ds(k2 * 2 * L, 2 * L)] = plsc.pack(
                    gs[2 * k2], gs[2 * k2 + 1],
                    format=plsc.PackFormat.INTERLEAVED)

        pltpu.sync_copy(g_bf, g_sh.at[pl.ds(nb, NSUB)])
        pltpu.sync_copy(h_v, acc_sh.at[pl.ds(nb, NSUB)])

    _p3.__exit__(None, None, None)
    plsc.subcore_barrier()

    _p4 = _ns("phase4_edges"); _p4.__enter__()
    def _scale(buf, sbuf, j):
        @plsc.parallel_loop(0, EG, unroll=2)
        def _(e):
            ws = _splat(w_mk, j, e)
            for k2 in range(D_HALF // (2 * L)):
                ab = buf[e, pl.ds(k2 * 2 * L, 2 * L)]
                a, b = plsc.unpack(ab, format=plsc.PackFormat.INTERLEAVED)
                sbuf[e, pl.ds(k2 * 2 * L, L)] = a * ws
                sbuf[e, pl.ds(k2 * 2 * L + L, L)] = b * ws

    def _gath(j, buf, sem):
        pltpu.async_copy(g_sh.at[col_mk.at[j]], buf, sem)

    def _gath_wait(j, buf, sem):
        pltpu.make_async_copy(g_sh.at[col_mk.at[j]], buf, sem).wait()

    def _scat(j, sbuf, sem):
        pltpu.async_copy(sbuf, acc_sh.at[row_mk.at[j]], sem, add=True)

    def _scat_wait(j, sbuf, sem):
        pltpu.make_async_copy(sbuf, acc_sh.at[row_mk.at[j]], sem).wait()

    @pl.loop(0, MEGA)
    def _(mk):
        g0 = gbase + mk * KG
        pltpu.sync_copy(row_hbm.at[pl.ds(g0, KG)], row_mk)
        pltpu.sync_copy(col_hbm.at[pl.ds(g0, KG)], col_mk)
        pltpu.sync_copy(w_hbm.at[pl.ds(g0, KG)], w_mk)

        _gath(0, rows_v0, sem_g0)
        _gath_wait(0, rows_v0, sem_g0)
        _gath(1, rows_v1, sem_g1)
        _scale(rows_v0, scat_v0, 0)
        _scat(0, scat_v0, sem_s0)
        _gath_wait(1, rows_v1, sem_g1)
        _gath(2, rows_v0, sem_g0)
        _scale(rows_v1, scat_v1, 1)
        _scat(1, scat_v1, sem_s1)

        @pl.loop(0, (KG - 2) // 2)
        def _(it):
            j = 2 + 2 * it
            _gath_wait(j, rows_v0, sem_g0)
            _gath(j + 1, rows_v1, sem_g1)
            _scat_wait(j - 2, scat_v0, sem_s0)
            _scale(rows_v0, scat_v0, j)
            _scat(j, scat_v0, sem_s0)
            _gath_wait(j + 1, rows_v1, sem_g1)
            _gath(jnp.minimum(j + 2, KG - 1), rows_v0, sem_g0)
            _scat_wait(j - 1, scat_v1, sem_s1)
            _scale(rows_v1, scat_v1, j + 1)
            _scat(j + 1, scat_v1, sem_s1)

        _scat_wait(KG - 2, scat_v0, sem_s0)
        _scat_wait(KG - 1, scat_v1, sem_s1)
        _gath_wait(KG - 1, rows_v0, sem_g0)

    plsc.subcore_barrier()

    _p4.__exit__(None, None, None)
    plsc.subcore_barrier()

    _p5 = _ns("phase5_writeback"); _p5.__enter__()
    pltpu.sync_copy(bias_hbm.at[pl.ds(fbase, D_HALF)], bias_v)
    bvs = [bias_v[pl.ds(k * L, L)] for k in range(D_HALF // L)]

    @pl.loop(0, NQ)
    def _(q):
        nb = nbase + q * NSUB
        pltpu.sync_copy(acc_sh.at[pl.ds(nb, NSUB)], h_v)

        @plsc.parallel_loop(0, NSUB, unroll=2)
        def _(r):
            dsplat = _splat(dis_v, q * NSUB + r)
            for k in range(D_HALF // L):
                sl = pl.ds(k * L, L)
                h_v[r, sl] = h_v[r, sl] * dsplat + bvs[k]

        pltpu.sync_copy(h_v, out_hbm.at[pl.ds(nb, NSUB),
                                        pl.ds(fbase, D_HALF)])

    _p5.__exit__(None, None, None)


@functools.partial(
    pl.kernel,
    out_type=jax.ShapeDtypeStruct((N_NODES, UNITS), jnp.float32),
    mesh=plsc.VectorSubcoreMesh(core_axis_name="c", subcore_axis_name="s",
                                num_cores=NC, num_subcores=NS),
    compiler_params=pltpu.CompilerParams(needs_layout_passes=False,
                                         use_tc_tiling_on_sc=False),
    scratch_types=[
        pltpu.VMEM_SHARED((N_NODES, D_HALF), jnp.bfloat16),
        pltpu.VMEM_SHARED((N_NODES, D_HALF), jnp.float32),
        pltpu.VMEM_SHARED((N_NODES,), jnp.float32),
        pltpu.VMEM((NSUB, D_HALF), jnp.float32),
        pltpu.VMEM((NODE_BLK,), jnp.float32),
        pltpu.VMEM((NODE_BLK,), jnp.float32),
        pltpu.VMEM((KG, EG), jnp.int32),
        pltpu.VMEM((KG, EG), jnp.int32),
        pltpu.VMEM((KG, EG), jnp.float32),
        pltpu.VMEM((EG, D_HALF), jnp.bfloat16),
        pltpu.VMEM((EG, D_HALF), jnp.bfloat16),
        pltpu.VMEM((EG, D_HALF), jnp.float32),
        pltpu.VMEM((EG, D_HALF), jnp.float32),
        pltpu.VMEM((NSUB, D_HALF), jnp.bfloat16),
        pltpu.VMEM((EW,), jnp.int32),
        pltpu.VMEM((EW,), jnp.float32),
        pltpu.VMEM((D_HALF,), jnp.float32),
        pltpu.SemaphoreType.DMA,
        pltpu.SemaphoreType.DMA,
        pltpu.SemaphoreType.DMA,
        pltpu.SemaphoreType.DMA,
    ],
)
def _sc_gcn(h_hbm, row_hbm, col_hbm, w_hbm, rowf_hbm, wf_hbm, bias_hbm,
            out_hbm, *scratch):
    _sc_body(h_hbm, row_hbm, col_hbm, w_hbm, rowf_hbm, wf_hbm, bias_hbm,
             out_hbm, *scratch)


def kernel(x, edge_index, edge_weight, kernel, bias):
    rowf = edge_index[0].astype(jnp.int32)
    colf = edge_index[1].astype(jnp.int32)
    wf = edge_weight.astype(jnp.float32)
    row = rowf.reshape(GROUPS, EG)
    col = colf.reshape(GROUPS, EG)
    w = wf.reshape(GROUPS, EG)
    h = _tc_matmul(x, kernel)
    return _sc_gcn(h, row, col, w, rowf, wf, bias)

# --- scband reference (transcript-rebuilt; emitter-appended) ---
"""Pipeline reference for scband-gcn-77034533421326 (READ-ONLY COPY).

The authoritative reference and input builder live on the scoring server;
editing this copy changes nothing except your own understanding.
"""

import jax, jax.numpy as jnp
import numpy as np

N_NODES = 10000
N_EDGES = 320000
D_FEAT = 128
UNITS = 128


def setup_inputs(seed: int = 0) -> dict:
    key = jax.random.key(seed)
    k1, k2, k3, k4 = jax.random.split(key, 4)
    x = jax.random.normal(k1, (N_NODES, D_FEAT), dtype=jnp.float32)
    edge_index = jax.random.randint(k2, (2, N_EDGES), 0, N_NODES, dtype=jnp.int64)
    edge_weight = jax.random.uniform(k3, (N_EDGES,), dtype=jnp.float32)
    # glorot uniform kernel
    limit = float(np.sqrt(6.0 / (D_FEAT + UNITS)))
    kernel = jax.random.uniform(k4, (D_FEAT, UNITS), dtype=jnp.float32, minval=-limit, maxval=limit)
    bias = jnp.zeros((UNITS,), dtype=jnp.float32)
    return {"x": x, "edge_index": edge_index, "edge_weight": edge_weight, "kernel": kernel, "bias": bias}


def reference(x, edge_index, edge_weight, kernel, bias):
    num_nodes = x.shape[0]
    # linear transform first
    h = x @ kernel
    # renorm trick: add self-loops with fill_weight = 1.0 (improved=False)
    row = edge_index[0]
    col = edge_index[1]
    loop_idx = jnp.arange(num_nodes, dtype=row.dtype)
    row = jnp.concatenate([row, loop_idx])
    col = jnp.concatenate([col, loop_idx])
    w = jnp.concatenate([edge_weight, jnp.ones((num_nodes,), dtype=edge_weight.dtype)])
    # degree = row-sum of adjacency (segment_sum over axis=-1)
    deg = jax.ops.segment_sum(w, row, num_segments=num_nodes)
    deg_inv_sqrt = jnp.power(deg, -0.5)
    deg_inv_sqrt = jnp.where(jnp.logical_or(jnp.isinf(deg_inv_sqrt), jnp.isnan(deg_inv_sqrt)), jnp.zeros_like(deg_inv_sqrt), deg_inv_sqrt)
    # D^-1/2 A D^-1/2
    norm_w = deg_inv_sqrt[row] * w * deg_inv_sqrt[col]
    # sparse matmul: gather + weighted scatter-add
    msg = h[col] * norm_w[:, None]
    out = jax.ops.segment_sum(msg, row, num_segments=num_nodes)
    out = out + bias
    return out

if __name__ == "__main__":
    import jax
    _d = setup_inputs()
    print(jax.jit(kernel)(*tuple(_d.values())))

</pallas_src>

<mosaic_0001>
#map = affine_map<(d0, d1) -> (0, 0)>
#map1 = affine_map<(d0, d1) -> (0)>
module attributes {stable_mosaic.version = 14 : i64} {
  func.func @_sc_gcn(%arg0: i32, %arg1: i32, %arg2: memref<10000x128xf32, #tpu.memory_space<hbm>>, %arg3: memref<3200x100xi32, #tpu.memory_space<hbm>>, %arg4: memref<3200x100xi32, #tpu.memory_space<hbm>>, %arg5: memref<3200x100xf32, #tpu.memory_space<hbm>>, %arg6: memref<320000xi32, #tpu.memory_space<hbm>>, %arg7: memref<320000xf32, #tpu.memory_space<hbm>>, %arg8: memref<128xf32, #tpu.memory_space<hbm>>, %arg9: memref<10000x128xf32, #tpu.memory_space<hbm>>, %arg10: memref<10000x64xbf16, #tpu.memory_space<vmem_shared>>, %arg11: memref<10000x64xf32, #tpu.memory_space<vmem_shared>>, %arg12: memref<10000xf32, #tpu.memory_space<vmem_shared>>, %arg13: memref<160x64xf32, #tpu.memory_space<vmem>>, %arg14: memref<640xf32, #tpu.memory_space<vmem>>, %arg15: memref<640xf32, #tpu.memory_space<vmem>>, %arg16: memref<40x100xi32, #tpu.memory_space<vmem>>, %arg17: memref<40x100xi32, #tpu.memory_space<vmem>>, %arg18: memref<40x100xf32, #tpu.memory_space<vmem>>, %arg19: memref<100x64xbf16, #tpu.memory_space<vmem>>, %arg20: memref<100x64xbf16, #tpu.memory_space<vmem>>, %arg21: memref<100x64xf32, #tpu.memory_space<vmem>>, %arg22: memref<100x64xf32, #tpu.memory_space<vmem>>, %arg23: memref<160x64xbf16, #tpu.memory_space<vmem>>, %arg24: memref<4000xi32, #tpu.memory_space<vmem>>, %arg25: memref<4000xf32, #tpu.memory_space<vmem>>, %arg26: memref<64xf32, #tpu.memory_space<vmem>>, %arg27: memref<!tpu.dma_semaphore, #tpu.memory_space<semaphore_mem>>, %arg28: memref<!tpu.dma_semaphore, #tpu.memory_space<semaphore_mem>>, %arg29: memref<!tpu.dma_semaphore, #tpu.memory_space<semaphore_mem>>, %arg30: memref<!tpu.dma_semaphore, #tpu.memory_space<semaphore_mem>>) attributes {dimension_semantics = [#tpu.dimension_semantics<core_parallel>, #tpu.dimension_semantics<subcore_parallel>], iteration_bounds = array<i64: 2, 16>, scalar_prefetch = 0 : i64, scratch_operands = 21 : i64, tpu.core_type = #tpu.core_type<sc_vector_subcore>, window_params = [{transform_indices = #map}, {transform_indices = #map}, {transform_indices = #map}, {transform_indices = #map}, {transform_indices = #map1}, {transform_indices = #map1}, {transform_indices = #map1}, {transform_indices = #map}]} {
    %mul3A = arith.constant 624 : i32
    %mul3A_0 = arith.muli %arg1, %mul3A : i32
    %mul3A_1 = arith.constant 200 : i32
    %mul3A_2 = arith.muli %arg1, %mul3A_1 : i32
    %mul3A_3 = arith.constant 64 : i32
    %mul3A_4 = arith.muli %arg0, %mul3A_3 : i32
    %scan3A = arith.constant 0 : i32
    %scan3A_5 = arith.constant 40 : i32
    %scan3A_6 = arith.addi %scan3A, %scan3A_5 : i32
    %scan3A_7 = arith.constant 1 : i32
    scf.for %scan3A_44 = %scan3A to %scan3A_6 step %scan3A_7  : i32 {
      %mul3A_45 = arith.constant 1 : i32
      %mul3A_46 = arith.muli %scan3A_44, %mul3A_45 : i32
      %add3A = arith.constant 0 : i32
      %add3A_47 = arith.addi %add3A, %mul3A_46 : i32
      %broadcast_in_dim3A = arith.constant 1.000000e+00 : f32
      %broadcast_in_dim3A_48 = vector.broadcast %broadcast_in_dim3A : f32 to vector<16xf32>
      %mul3A_49 = arith.constant 16 : i32
      %mul3A_50 = arith.muli %add3A_47, %mul3A_49 : i32
      %swap3A = arith.index_cast %mul3A_50 : i32 to index
      %swap3A_51 = tpu.vector_load %arg14[%swap3A] {strides = array<i32>} : memref<640xf32, #tpu.memory_space<vmem>>, vector<16xf32>,
      tpu.vector_store %arg14[%swap3A], %broadcast_in_dim3A_48 {strides = array<i32>} : memref<640xf32, #tpu.memory_space<vmem>>, vector<16xf32>,
    }
    %scan3A_8 = arith.constant 40 : i32
    "tpu.region"() ({
      %run_scoped3A = tpu.sem_alloc : memref<!tpu.dma_semaphore, #tpu.memory_space<semaphore_mem>>
      %dma_start3A = tpu.memref_slice %arg12[%mul3A_0] : memref<10000xf32, #tpu.memory_space<vmem_shared>> -> memref<640xf32, #tpu.memory_space<vmem_shared>>
      %dma_start3A_44 = tpu.memref_slice %arg12[%mul3A_0] : memref<10000xf32, #tpu.memory_space<vmem_shared>> -> memref<640xf32, #tpu.memory_space<vmem_shared>>
      tpu.enqueue_dma source(%arg14 : memref<640xf32, #tpu.memory_space<vmem>>) target(%dma_start3A_44 : memref<640xf32, #tpu.memory_space<vmem_shared>>) target_semaphore(%run_scoped3A : memref<!tpu.dma_semaphore, #tpu.memory_space<semaphore_mem>>)
      %dma_wait3A = tpu.memref_slice %arg12[%mul3A_0] : memref<10000xf32, #tpu.memory_space<vmem_shared>> -> memref<640xf32, #tpu.memory_space<vmem_shared>>
      %dma_wait3A_45 = tpu.memref_slice %arg12[%mul3A_0] : memref<10000xf32, #tpu.memory_space<vmem_shared>> -> memref<640xf32, #tpu.memory_space<vmem_shared>>
      tpu.wait_dma2 semaphore(%run_scoped3A : memref<!tpu.dma_semaphore, #tpu.memory_space<semaphore_mem>>) src(%arg14 : memref<640xf32, #tpu.memory_space<vmem>>) dst(%dma_wait3A_45 : memref<640xf32, #tpu.memory_space<vmem_shared>>)
      tpu.yield
    }) : () -> ()
    %barrier3A = arith.constant 0 : index
    tpu.barrier barrier_id(%barrier3A)
    %mul3A_9 = arith.constant 20000 : i32
    %mul3A_10 = arith.muli %arg1, %mul3A_9 : i32
    "tpu.trace_start"() <{level = 10 : i32, message = "phase1_deg"}> : () -> ()
    %scan3A_11 = arith.constant 0 : i32
    %scan3A_12 = arith.constant 5 : i32
    %scan3A_13 = arith.addi %scan3A_11, %scan3A_12 : i32
    %scan3A_14 = arith.constant 1 : i32
    scf.for %scan3A_44 = %scan3A_11 to %scan3A_13 step %scan3A_14  : i32 {
      %mul3A_45 = arith.constant 1 : i32
      %mul3A_46 = arith.muli %scan3A_44, %mul3A_45 : i32
      %add3A = arith.constant 0 : i32
      %add3A_47 = arith.addi %add3A, %mul3A_46 : i32
      %mul3A_48 = arith.constant 4000 : i32
      %mul3A_49 = arith.muli %add3A_47, %mul3A_48 : i32
      %add3A_50 = arith.addi %mul3A_10, %mul3A_49 : i32
      "tpu.region"() ({
        %run_scoped3A = tpu.sem_alloc : memref<!tpu.dma_semaphore, #tpu.memory_space<semaphore_mem>>
        %dma_start3A = tpu.memref_slice %arg6[%add3A_50] : memref<320000xi32, #tpu.memory_space<hbm>> -> memref<4000xi32, #tpu.memory_space<hbm>>
        %dma_start3A_51 = tpu.memref_slice %arg6[%add3A_50] : memref<320000xi32, #tpu.memory_space<hbm>> -> memref<4000xi32, #tpu.memory_space<hbm>>
        tpu.enqueue_dma source(%dma_start3A_51 : memref<4000xi32, #tpu.memory_space<hbm>>) target(%arg24 : memref<4000xi32, #tpu.memory_space<vmem>>) target_semaphore(%run_scoped3A : memref<!tpu.dma_semaphore, #tpu.memory_space<semaphore_mem>>)
        %dma_wait3A = tpu.memref_slice %arg6[%add3A_50] : memref<320000xi32, #tpu.memory_space<hbm>> -> memref<4000xi32, #tpu.memory_space<hbm>>
        %dma_wait3A_52 = tpu.memref_slice %arg6[%add3A_50] : memref<320000xi32, #tpu.memory_space<hbm>> -> memref<4000xi32, #tpu.memory_space<hbm>>
        tpu.wait_dma2 semaphore(%run_scoped3A : memref<!tpu.dma_semaphore, #tpu.memory_space<semaphore_mem>>) src(%dma_wait3A_52 : memref<4000xi32, #tpu.memory_space<hbm>>) dst(%arg24 : memref<4000xi32, #tpu.memory_space<vmem>>)
        tpu.yield
      }) : () -> ()
      "tpu.region"() ({
        %run_scoped3A = tpu.sem_alloc : memref<!tpu.dma_semaphore, #tpu.memory_space<semaphore_mem>>
        %dma_start3A = tpu.memref_slice %arg7[%add3A_50] : memref<320000xf32, #tpu.memory_space<hbm>> -> memref<4000xf32, #tpu.memory_space<hbm>>
        %dma_start3A_51 = tpu.memref_slice %arg7[%add3A_50] : memref<320000xf32, #tpu.memory_space<hbm>> -> memref<4000xf32, #tpu.memory_space<hbm>>
        tpu.enqueue_dma source(%dma_start3A_51 : memref<4000xf32, #tpu.memory_space<hbm>>) target(%arg25 : memref<4000xf32, #tpu.memory_space<vmem>>) target_semaphore(%run_scoped3A : memref<!tpu.dma_semaphore, #tpu.memory_space<semaphore_mem>>)
        %dma_wait3A = tpu.memref_slice %arg7[%add3A_50] : memref<320000xf32, #tpu.memory_space<hbm>> -> memref<4000xf32, #tpu.memory_space<hbm>>
        %dma_wait3A_52 = tpu.memref_slice %arg7[%add3A_50] : memref<320000xf32, #tpu.memory_space<hbm>> -> memref<4000xf32, #tpu.memory_space<hbm>>
        tpu.wait_dma2 semaphore(%run_scoped3A : memref<!tpu.dma_semaphore, #tpu.memory_space<semaphore_mem>>) src(%dma_wait3A_52 : memref<4000xf32, #tpu.memory_space<hbm>>) dst(%arg25 : memref<4000xf32, #tpu.memory_space<vmem>>)
        tpu.yield
      }) : () -> ()
      "tpu.region"() ({
        %run_scoped3A = tpu.sem_alloc : memref<!tpu.dma_semaphore, #tpu.memory_space<semaphore_mem>>
        %dma_start3A = arith.constant 0 : i32
        %dma_start3A_51 = tpu.memref_slice %arg12[%dma_start3A] : memref<10000xf32, #tpu.memory_space<vmem_shared>> -> memref<10000xf32, #tpu.memory_space<vmem_shared>>
        tpu.enqueue_indirect_dma source(%arg25 : memref<4000xf32, #tpu.memory_space<vmem>>) target(%dma_start3A_51 : memref<10000xf32, #tpu.memory_space<vmem_shared>>) offsets(%arg24 : memref<4000xi32, #tpu.memory_space<vmem>>) semaphore(%run_scoped3A : memref<!tpu.dma_semaphore, #tpu.memory_space<semaphore_mem>>) {add = true}
        %dma_wait3A = arith.constant 0 : i32
        %dma_wait3A_52 = tpu.memref_slice %arg12[%dma_wait3A] : memref<10000xf32, #tpu.memory_space<vmem_shared>> -> memref<10000xf32, #tpu.memory_space<vmem_shared>>
        tpu.wait_indirect_dma semaphore(%run_scoped3A : memref<!tpu.dma_semaphore, #tpu.memory_space<semaphore_mem>>) src(%arg25 : memref<4000xf32, #tpu.memory_space<vmem>>) dst(%dma_wait3A_52 : memref<10000xf32, #tpu.memory_space<vmem_shared>>)
        tpu.yield
      }) : () -> ()
    }
    %scan3A_15 = arith.constant 5 : i32
    "tpu.trace_stop"() : () -> ()
    %barrier3A_16 = arith.constant 0 : index
    tpu.barrier barrier_id(%barrier3A_16)
    "tpu.trace_start"() <{level = 10 : i32, message = "phase2_rsqrt"}> : () -> ()
    "tpu.region"() ({
      %run_scoped3A = tpu.sem_alloc : memref<!tpu.dma_semaphore, #tpu.memory_space<semaphore_mem>>
      %dma_start3A = tpu.memref_slice %arg12[%mul3A_0] : memref<10000xf32, #tpu.memory_space<vmem_shared>> -> memref<640xf32, #tpu.memory_space<vmem_shared>>
      %dma_start3A_44 = tpu.memref_slice %arg12[%mul3A_0] : memref<10000xf32, #tpu.memory_space<vmem_shared>> -> memref<640xf32, #tpu.memory_space<vmem_shared>>
      tpu.enqueue_dma source(%dma_start3A_44 : memref<640xf32, #tpu.memory_space<vmem_shared>>) target(%arg14 : memref<640xf32, #tpu.memory_space<vmem>>) target_semaphore(%run_scoped3A : memref<!tpu.dma_semaphore, #tpu.memory_space<semaphore_mem>>)
      %dma_wait3A = tpu.memref_slice %arg12[%mul3A_0] : memref<10000xf32, #tpu.memory_space<vmem_shared>> -> memref<640xf32, #tpu.memory_space<vmem_shared>>
      %dma_wait3A_45 = tpu.memref_slice %arg12[%mul3A_0] : memref<10000xf32, #tpu.memory_space<vmem_shared>> -> memref<640xf32, #tpu.memory_space<vmem_shared>>
      tpu.wait_dma2 semaphore(%run_scoped3A : memref<!tpu.dma_semaphore, #tpu.memory_space<semaphore_mem>>) src(%dma_wait3A_45 : memref<640xf32, #tpu.memory_space<vmem_shared>>) dst(%arg14 : memref<640xf32, #tpu.memory_space<vmem>>)
      tpu.yield
    }) : () -> ()
    %parallel_loop3A = arith.constant 0 : i32
    %parallel_loop3A_17 = arith.constant 40 : i32
    %parallel_loop3A_18 = arith.constant 1 : i32
    scf.for %parallel_loop3A_44 = %parallel_loop3A to %parallel_loop3A_17 step %parallel_loop3A_18  : i32 {
      %parallel_loop3A_45 = arith.constant 16 : i32
      %parallel_loop3A_46 = arith.muli %parallel_loop3A_44, %parallel_loop3A_45 : i32
      %parallel_loop3A_47 = arith.index_cast %parallel_loop3A_46 : i32 to index
      %parallel_loop3A_48 = tpu.vector_load %arg14[%parallel_loop3A_47] {strides = array<i32>} : memref<640xf32, #tpu.memory_space<vmem>>, vector<16xf32>,
      %parallel_loop3A_49 = tpu.bitcast %parallel_loop3A_48 : vector<16xf32> -> vector<16xi32>
      %parallel_loop3A_50 = arith.constant 1 : i32
      %parallel_loop3A_51 = vector.broadcast %parallel_loop3A_50 : i32 to vector<16xi32>
      %parallel_loop3A_52 = arith.shrsi %parallel_loop3A_49, %parallel_loop3A_51 : vector<16xi32>
      %parallel_loop3A_53 = arith.constant 1597463007 : i32
      %parallel_loop3A_54 = vector.broadcast %parallel_loop3A_53 : i32 to vector<16xi32>
      %parallel_loop3A_55 = arith.subi %parallel_loop3A_54, %parallel_loop3A_52 : vector<16xi32>
      %parallel_loop3A_56 = tpu.bitcast %parallel_loop3A_55 : vector<16xi32> -> vector<16xf32>
      %parallel_loop3A_57 = arith.constant 5.000000e-01 : f32
      %parallel_loop3A_58 = vector.broadcast %parallel_loop3A_57 : f32 to vector<16xf32>
      %parallel_loop3A_59 = arith.mulf %parallel_loop3A_58, %parallel_loop3A_48 : vector<16xf32>
      %parallel_loop3A_60 = arith.mulf %parallel_loop3A_59, %parallel_loop3A_56 : vector<16xf32>
      %parallel_loop3A_61 = arith.mulf %parallel_loop3A_60, %parallel_loop3A_56 : vector<16xf32>
      %parallel_loop3A_62 = arith.constant 1.500000e+00 : f32
      %parallel_loop3A_63 = vector.broadcast %parallel_loop3A_62 : f32 to vector<16xf32>
      %parallel_loop3A_64 = arith.subf %parallel_loop3A_63, %parallel_loop3A_61 : vector<16xf32>
      %parallel_loop3A_65 = arith.mulf %parallel_loop3A_56, %parallel_loop3A_64 : vector<16xf32>
      %parallel_loop3A_66 = arith.constant 5.000000e-01 : f32
      %parallel_loop3A_67 = vector.broadcast %parallel_loop3A_66 : f32 to vector<16xf32>
      %parallel_loop3A_68 = arith.mulf %parallel_loop3A_67, %parallel_loop3A_48 : vector<16xf32>
      %parallel_loop3A_69 = arith.mulf %parallel_loop3A_68, %parallel_loop3A_65 : vector<16xf32>
      %parallel_loop3A_70 = arith.mulf %parallel_loop3A_69, %parallel_loop3A_65 : vector<16xf32>
      %parallel_loop3A_71 = arith.constant 1.500000e+00 : f32
      %parallel_loop3A_72 = vector.broadcast %parallel_loop3A_71 : f32 to vector<16xf32>
      %parallel_loop3A_73 = arith.subf %parallel_loop3A_72, %parallel_loop3A_70 : vector<16xf32>
      %parallel_loop3A_74 = arith.mulf %parallel_loop3A_65, %parallel_loop3A_73 : vector<16xf32>
      %parallel_loop3A_75 = arith.constant 5.000000e-01 : f32
      %parallel_loop3A_76 = vector.broadcast %parallel_loop3A_75 : f32 to vector<16xf32>
      %parallel_loop3A_77 = arith.mulf %parallel_loop3A_76, %parallel_loop3A_48 : vector<16xf32>
      %parallel_loop3A_78 = arith.mulf %parallel_loop3A_77, %parallel_loop3A_74 : vector<16xf32>
      %parallel_loop3A_79 = arith.mulf %parallel_loop3A_78, %parallel_loop3A_74 : vector<16xf32>
      %parallel_loop3A_80 = arith.constant 1.500000e+00 : f32
      %parallel_loop3A_81 = vector.broadcast %parallel_loop3A_80 : f32 to vector<16xf32>
      %parallel_loop3A_82 = arith.subf %parallel_loop3A_81, %parallel_loop3A_79 : vector<16xf32>
      %parallel_loop3A_83 = arith.mulf %parallel_loop3A_74, %parallel_loop3A_82 : vector<16xf32>
      %parallel_loop3A_84 = arith.index_cast %parallel_loop3A_46 : i32 to index
      %parallel_loop3A_85 = tpu.vector_load %arg15[%parallel_loop3A_84] {strides = array<i32>} : memref<640xf32, #tpu.memory_space<vmem>>, vector<16xf32>,
      tpu.vector_store %arg15[%parallel_loop3A_84], %parallel_loop3A_83 {strides = array<i32>} : memref<640xf32, #tpu.memory_space<vmem>>, vector<16xf32>,
    } {sc.loop_unroll_factor = 2 : i64, sc.parallel_access}
    "tpu.trace_stop"() : () -> ()
    "tpu.trace_start"() <{level = 10 : i32, message = "phase3_stage"}> : () -> ()
    %scan3A_19 = arith.constant 0 : i32
    %scan3A_20 = arith.constant 4 : i32
    %scan3A_21 = arith.addi %scan3A_19, %scan3A_20 : i32
    %scan3A_22 = arith.constant 1 : i32
    scf.for %scan3A_44 = %scan3A_19 to %scan3A_21 step %scan3A_22  : i32 {
      %mul3A_45 = arith.constant 1 : i32
      %mul3A_46 = arith.muli %scan3A_44, %mul3A_45 : i32
      %add3A = arith.constant 0 : i32
      %add3A_47 = arith.addi %add3A, %mul3A_46 : i32
      %mul3A_48 = arith.constant 160 : i32
      %mul3A_49 = arith.muli %add3A_47, %mul3A_48 : i32
      %add3A_50 = arith.addi %mul3A_0, %mul3A_49 : i32
      "tpu.region"() ({
        %run_scoped3A = tpu.sem_alloc : memref<!tpu.dma_semaphore, #tpu.memory_space<semaphore_mem>>
        %dma_start3A = tpu.memref_slice %arg2[%add3A_50, %mul3A_4] : memref<10000x128xf32, #tpu.memory_space<hbm>> -> memref<160x64xf32, #tpu.memory_space<hbm>>
        %dma_start3A_54 = tpu.memref_slice %arg2[%add3A_50, %mul3A_4] : memref<10000x128xf32, #tpu.memory_space<hbm>> -> memref<160x64xf32, #tpu.memory_space<hbm>>
        tpu.enqueue_dma source(%dma_start3A_54 : memref<160x64xf32, #tpu.memory_space<hbm>>) target(%arg13 : memref<160x64xf32, #tpu.memory_space<vmem>>) target_semaphore(%run_scoped3A : memref<!tpu.dma_semaphore, #tpu.memory_space<semaphore_mem>>)
        %dma_wait3A = tpu.memref_slice %arg2[%add3A_50, %mul3A_4] : memref<10000x128xf32, #tpu.memory_space<hbm>> -> memref<160x64xf32, #tpu.memory_space<hbm>>
        %dma_wait3A_55 = tpu.memref_slice %arg2[%add3A_50, %mul3A_4] : memref<10000x128xf32, #tpu.memory_space<hbm>> -> memref<160x64xf32, #tpu.memory_space<hbm>>
        tpu.wait_dma2 semaphore(%run_scoped3A : memref<!tpu.dma_semaphore, #tpu.memory_space<semaphore_mem>>) src(%dma_wait3A_55 : memref<160x64xf32, #tpu.memory_space<hbm>>) dst(%arg13 : memref<160x64xf32, #tpu.memory_space<vmem>>)
        tpu.yield
      }) : () -> ()
      %parallel_loop3A_51 = arith.constant 0 : i32
      %parallel_loop3A_52 = arith.constant 160 : i32
      %parallel_loop3A_53 = arith.constant 1 : i32
      scf.for %parallel_loop3A_54 = %parallel_loop3A_51 to %parallel_loop3A_52 step %parallel_loop3A_53  : i32 {
        %parallel_loop3A_55 = arith.constant 160 : i32
        %parallel_loop3A_56 = arith.muli %add3A_47, %parallel_loop3A_55 : i32
        %parallel_loop3A_57 = arith.addi %parallel_loop3A_56, %parallel_loop3A_54 : i32
        %parallel_loop3A_58 = vector.broadcast %parallel_loop3A_57 : i32 to vector<16xi32>
        %parallel_loop3A_59 = tpu.vector_load_idx %arg15[%parallel_loop3A_58] : memref<640xf32, #tpu.memory_space<vmem>>[vector<16xi32>], vector<16xf32>,
        %parallel_loop3A_60 = arith.index_cast %parallel_loop3A_54 : i32 to index
        %parallel_loop3A_61 = arith.constant 0 : index
        %parallel_loop3A_62 = tpu.vector_load %arg13[%parallel_loop3A_60, %parallel_loop3A_61] {strides = array<i32>} : memref<160x64xf32, #tpu.memory_space<vmem>>, vector<16xf32>,
        %parallel_loop3A_63 = arith.mulf %parallel_loop3A_62, %parallel_loop3A_59 : vector<16xf32>
        %parallel_loop3A_64 = arith.index_cast %parallel_loop3A_54 : i32 to index
        %parallel_loop3A_65 = arith.constant 0 : index
        %parallel_loop3A_66 = tpu.vector_load %arg13[%parallel_loop3A_64, %parallel_loop3A_65] {strides = array<i32>} : memref<160x64xf32, #tpu.memory_space<vmem>>, vector<16xf32>,
        tpu.vector_store %arg13[%parallel_loop3A_64, %parallel_loop3A_65], %parallel_loop3A_63 {strides = array<i32>} : memref<160x64xf32, #tpu.memory_space<vmem>>, vector<16xf32>,
        %parallel_loop3A_67 = arith.index_cast %parallel_loop3A_54 : i32 to index
        %parallel_loop3A_68 = arith.constant 16 : index
        %parallel_loop3A_69 = tpu.vector_load %arg13[%parallel_loop3A_67, %parallel_loop3A_68] {strides = array<i32>} : memref<160x64xf32, #tpu.memory_space<vmem>>, vector<16xf32>,
        %parallel_loop3A_70 = arith.mulf %parallel_loop3A_69, %parallel_loop3A_59 : vector<16xf32>
        %parallel_loop3A_71 = arith.index_cast %parallel_loop3A_54 : i32 to index
        %parallel_loop3A_72 = arith.constant 16 : index
        %parallel_loop3A_73 = tpu.vector_load %arg13[%parallel_loop3A_71, %parallel_loop3A_72] {strides = array<i32>} : memref<160x64xf32, #tpu.memory_space<vmem>>, vector<16xf32>,
        tpu.vector_store %arg13[%parallel_loop3A_71, %parallel_loop3A_72], %parallel_loop3A_70 {strides = array<i32>} : memref<160x64xf32, #tpu.memory_space<vmem>>, vector<16xf32>,
        %parallel_loop3A_74 = arith.index_cast %parallel_loop3A_54 : i32 to index
        %parallel_loop3A_75 = arith.constant 32 : index
        %parallel_loop3A_76 = tpu.vector_load %arg13[%parallel_loop3A_74, %parallel_loop3A_75] {strides = array<i32>} : memref<160x64xf32, #tpu.memory_space<vmem>>, vector<16xf32>,
        %parallel_loop3A_77 = arith.mulf %parallel_loop3A_76, %parallel_loop3A_59 : vector<16xf32>
        %parallel_loop3A_78 = arith.index_cast %parallel_loop3A_54 : i32 to index
        %parallel_loop3A_79 = arith.constant 32 : index
        %parallel_loop3A_80 = tpu.vector_load %arg13[%parallel_loop3A_78, %parallel_loop3A_79] {strides = array<i32>} : memref<160x64xf32, #tpu.memory_space<vmem>>, vector<16xf32>,
        tpu.vector_store %arg13[%parallel_loop3A_78, %parallel_loop3A_79], %parallel_loop3A_77 {strides = array<i32>} : memref<160x64xf32, #tpu.memory_space<vmem>>, vector<16xf32>,
        %parallel_loop3A_81 = arith.index_cast %parallel_loop3A_54 : i32 to index
        %parallel_loop3A_82 = arith.constant 48 : index
        %parallel_loop3A_83 = tpu.vector_load %arg13[%parallel_loop3A_81, %parallel_loop3A_82] {strides = array<i32>} : memref<160x64xf32, #tpu.memory_space<vmem>>, vector<16xf32>,
        %parallel_loop3A_84 = arith.mulf %parallel_loop3A_83, %parallel_loop3A_59 : vector<16xf32>
        %parallel_loop3A_85 = arith.index_cast %parallel_loop3A_54 : i32 to index
        %parallel_loop3A_86 = arith.constant 48 : index
        %parallel_loop3A_87 = tpu.vector_load %arg13[%parallel_loop3A_85, %parallel_loop3A_86] {strides = array<i32>} : memref<160x64xf32, #tpu.memory_space<vmem>>, vector<16xf32>,
        tpu.vector_store %arg13[%parallel_loop3A_85, %parallel_loop3A_86], %parallel_loop3A_84 {strides = array<i32>} : memref<160x64xf32, #tpu.memory_space<vmem>>, vector<16xf32>,
        %parallel_loop3A_88 = tpu.pack_subelements %parallel_loop3A_63, %parallel_loop3A_70 {pack_format = #tpu.pack_format<interleaved>, positions = array<i32: 0, 1>} : vector<16xf32>, vector<16xf32> -> vector<32xbf16>
        %parallel_loop3A_89 = arith.index_cast %parallel_loop3A_54 : i32 to index
        %parallel_loop3A_90 = arith.constant 0 : index
        %parallel_loop3A_91 = tpu.vector_load %arg23[%parallel_loop3A_89, %parallel_loop3A_90] {strides = array<i32>} : memref<160x64xbf16, #tpu.memory_space<vmem>>, vector<32xbf16>,
        tpu.vector_store %arg23[%parallel_loop3A_89, %parallel_loop3A_90], %parallel_loop3A_88 {strides = array<i32>} : memref<160x64xbf16, #tpu.memory_space<vmem>>, vector<32xbf16>,
        %parallel_loop3A_92 = tpu.pack_subelements %parallel_loop3A_77, %parallel_loop3A_84 {pack_format = #tpu.pack_format<interleaved>, positions = array<i32: 0, 1>} : vector<16xf32>, vector<16xf32> -> vector<32xbf16>
        %parallel_loop3A_93 = arith.index_cast %parallel_loop3A_54 : i32 to index
        %parallel_loop3A_94 = arith.constant 32 : index
        %parallel_loop3A_95 = tpu.vector_load %arg23[%parallel_loop3A_93, %parallel_loop3A_94] {strides = array<i32>} : memref<160x64xbf16, #tpu.memory_space<vmem>>, vector<32xbf16>,
        tpu.vector_store %arg23[%parallel_loop3A_93, %parallel_loop3A_94], %parallel_loop3A_92 {strides = array<i32>} : memref<160x64xbf16, #tpu.memory_space<vmem>>, vector<32xbf16>,
      } {sc.loop_unroll_factor = 2 : i64, sc.parallel_access}
      "tpu.region"() ({
        %run_scoped3A = tpu.sem_alloc : memref<!tpu.dma_semaphore, #tpu.memory_space<semaphore_mem>>
        %dma_start3A = arith.constant 0 : i32
        %dma_start3A_54 = tpu.memref_slice %arg10[%add3A_50, %dma_start3A] : memref<10000x64xbf16, #tpu.memory_space<vmem_shared>> -> memref<160x64xbf16, #tpu.memory_space<vmem_shared>>
        %dma_start3A_55 = arith.constant 0 : i32
        %dma_start3A_56 = tpu.memref_slice %arg10[%add3A_50, %dma_start3A_55] : memref<10000x64xbf16, #tpu.memory_space<vmem_shared>> -> memref<160x64xbf16, #tpu.memory_space<vmem_shared>>
        tpu.enqueue_dma source(%arg23 : memref<160x64xbf16, #tpu.memory_space<vmem>>) target(%dma_start3A_56 : memref<160x64xbf16, #tpu.memory_space<vmem_shared>>) target_semaphore(%run_scoped3A : memref<!tpu.dma_semaphore, #tpu.memory_space<semaphore_mem>>)
        %dma_wait3A = arith.constant 0 : i32
        %dma_wait3A_57 = tpu.memref_slice %arg10[%add3A_50, %dma_wait3A] : memref<10000x64xbf16, #tpu.memory_space<vmem_shared>> -> memref<160x64xbf16, #tpu.memory_space<vmem_shared>>
        %dma_wait3A_58 = arith.constant 0 : i32
        %dma_wait3A_59 = tpu.memref_slice %arg10[%add3A_50, %dma_wait3A_58] : memref<10000x64xbf16, #tpu.memory_space<vmem_shared>> -> memref<160x64xbf16, #tpu.memory_space<vmem_shared>>
        tpu.wait_dma2 semaphore(%run_scoped3A : memref<!tpu.dma_semaphore, #tpu.memory_space<semaphore_mem>>) src(%arg23 : memref<160x64xbf16, #tpu.memory_space<vmem>>) dst(%dma_wait3A_59 : memref<160x64xbf16, #tpu.memory_space<vmem_shared>>)
        tpu.yield
      }) : () -> ()
      "tpu.region"() ({
        %run_scoped3A = tpu.sem_alloc : memref<!tpu.dma_semaphore, #tpu.memory_space<semaphore_mem>>
        %dma_start3A = arith.constant 0 : i32
        %dma_start3A_54 = tpu.memref_slice %arg11[%add3A_50, %dma_start3A] : memref<10000x64xf32, #tpu.memory_space<vmem_shared>> -> memref<160x64xf32, #tpu.memory_space<vmem_shared>>
        %dma_start3A_55 = arith.constant 0 : i32
        %dma_start3A_56 = tpu.memref_slice %arg11[%add3A_50, %dma_start3A_55] : memref<10000x64xf32, #tpu.memory_space<vmem_shared>> -> memref<160x64xf32, #tpu.memory_space<vmem_shared>>
        tpu.enqueue_dma source(%arg13 : memref<160x64xf32, #tpu.memory_space<vmem>>) target(%dma_start3A_56 : memref<160x64xf32, #tpu.memory_space<vmem_shared>>) target_semaphore(%run_scoped3A : memref<!tpu.dma_semaphore, #tpu.memory_space<semaphore_mem>>)
        %dma_wait3A = arith.constant 0 : i32
        %dma_wait3A_57 = tpu.memref_slice %arg11[%add3A_50, %dma_wait3A] : memref<10000x64xf32, #tpu.memory_space<vmem_shared>> -> memref<160x64xf32, #tpu.memory_space<vmem_shared>>
        %dma_wait3A_58 = arith.constant 0 : i32
        %dma_wait3A_59 = tpu.memref_slice %arg11[%add3A_50, %dma_wait3A_58] : memref<10000x64xf32, #tpu.memory_space<vmem_shared>> -> memref<160x64xf32, #tpu.memory_space<vmem_shared>>
        tpu.wait_dma2 semaphore(%run_scoped3A : memref<!tpu.dma_semaphore, #tpu.memory_space<semaphore_mem>>) src(%arg13 : memref<160x64xf32, #tpu.memory_space<vmem>>) dst(%dma_wait3A_59 : memref<160x64xf32, #tpu.memory_space<vmem_shared>>)
        tpu.yield
      }) : () -> ()
    }
    %scan3A_23 = arith.constant 4 : i32
    "tpu.trace_stop"() : () -> ()
    %barrier3A_24 = arith.constant 0 : index
    tpu.barrier barrier_id(%barrier3A_24)
    "tpu.trace_start"() <{level = 10 : i32, message = "phase4_edges"}> : () -> ()
    %scan3A_25 = arith.constant 0 : i32
    %scan3A_26 = arith.constant 5 : i32
    %scan3A_27 = arith.addi %scan3A_25, %scan3A_26 : i32
    %scan3A_28 = arith.constant 1 : i32
    scf.for %scan3A_44 = %scan3A_25 to %scan3A_27 step %scan3A_28  : i32 {
      %mul3A_45 = arith.constant 1 : i32
      %mul3A_46 = arith.muli %scan3A_44, %mul3A_45 : i32
      %add3A = arith.constant 0 : i32
      %add3A_47 = arith.addi %add3A, %mul3A_46 : i32
      %mul3A_48 = arith.constant 40 : i32
      %mul3A_49 = arith.muli %add3A_47, %mul3A_48 : i32
      %add3A_50 = arith.addi %mul3A_2, %mul3A_49 : i32
      "tpu.region"() ({
        %run_scoped3A = tpu.sem_alloc : memref<!tpu.dma_semaphore, #tpu.memory_space<semaphore_mem>>
        %dma_start3A_130 = arith.constant 0 : i32
        %dma_start3A_131 = tpu.memref_slice %arg3[%add3A_50, %dma_start3A_130] : memref<3200x100xi32, #tpu.memory_space<hbm>> -> memref<40x100xi32, #tpu.memory_space<hbm>>
        %dma_start3A_132 = arith.constant 0 : i32
        %dma_start3A_133 = tpu.memref_slice %arg3[%add3A_50, %dma_start3A_132] : memref<3200x100xi32, #tpu.memory_space<hbm>> -> memref<40x100xi32, #tpu.memory_space<hbm>>
        tpu.enqueue_dma source(%dma_start3A_133 : memref<40x100xi32, #tpu.memory_space<hbm>>) target(%arg16 : memref<40x100xi32, #tpu.memory_space<vmem>>) target_semaphore(%run_scoped3A : memref<!tpu.dma_semaphore, #tpu.memory_space<semaphore_mem>>)
        %dma_wait3A_134 = arith.constant 0 : i32
        %dma_wait3A_135 = tpu.memref_slice %arg3[%add3A_50, %dma_wait3A_134] : memref<3200x100xi32, #tpu.memory_space<hbm>> -> memref<40x100xi32, #tpu.memory_space<hbm>>
        %dma_wait3A_136 = arith.constant 0 : i32
        %dma_wait3A_137 = tpu.memref_slice %arg3[%add3A_50, %dma_wait3A_136] : memref<3200x100xi32, #tpu.memory_space<hbm>> -> memref<40x100xi32, #tpu.memory_space<hbm>>
        tpu.wait_dma2 semaphore(%run_scoped3A : memref<!tpu.dma_semaphore, #tpu.memory_space<semaphore_mem>>) src(%dma_wait3A_137 : memref<40x100xi32, #tpu.memory_space<hbm>>) dst(%arg16 : memref<40x100xi32, #tpu.memory_space<vmem>>)
        tpu.yield
      }) : () -> ()
      "tpu.region"() ({
        %run_scoped3A = tpu.sem_alloc : memref<!tpu.dma_semaphore, #tpu.memory_space<semaphore_mem>>
        %dma_start3A_130 = arith.constant 0 : i32
        %dma_start3A_131 = tpu.memref_slice %arg4[%add3A_50, %dma_start3A_130] : memref<3200x100xi32, #tpu.memory_space<hbm>> -> memref<40x100xi32, #tpu.memory_space<hbm>>
        %dma_start3A_132 = arith.constant 0 : i32
        %dma_start3A_133 = tpu.memref_slice %arg4[%add3A_50, %dma_start3A_132] : memref<3200x100xi32, #tpu.memory_space<hbm>> -> memref<40x100xi32, #tpu.memory_space<hbm>>
        tpu.enqueue_dma source(%dma_start3A_133 : memref<40x100xi32, #tpu.memory_space<hbm>>) target(%arg17 : memref<40x100xi32, #tpu.memory_space<vmem>>) target_semaphore(%run_scoped3A : memref<!tpu.dma_semaphore, #tpu.memory_space<semaphore_mem>>)
        %dma_wait3A_134 = arith.constant 0 : i32
        %dma_wait3A_135 = tpu.memref_slice %arg4[%add3A_50, %dma_wait3A_134] : memref<3200x100xi32, #tpu.memory_space<hbm>> -> memref<40x100xi32, #tpu.memory_space<hbm>>
        %dma_wait3A_136 = arith.constant 0 : i32
        %dma_wait3A_137 = tpu.memref_slice %arg4[%add3A_50, %dma_wait3A_136] : memref<3200x100xi32, #tpu.memory_space<hbm>> -> memref<40x100xi32, #tpu.memory_space<hbm>>
        tpu.wait_dma2 semaphore(%run_scoped3A : memref<!tpu.dma_semaphore, #tpu.memory_space<semaphore_mem>>) src(%dma_wait3A_137 : memref<40x100xi32, #tpu.memory_space<hbm>>) dst(%arg17 : memref<40x100xi32, #tpu.memory_space<vmem>>)
        tpu.yield
      }) : () -> ()
      "tpu.region"() ({
        %run_scoped3A = tpu.sem_alloc : memref<!tpu.dma_semaphore, #tpu.memory_space<semaphore_mem>>
        %dma_start3A_130 = arith.constant 0 : i32
        %dma_start3A_131 = tpu.memref_slice %arg5[%add3A_50, %dma_start3A_130] : memref<3200x100xf32, #tpu.memory_space<hbm>> -> memref<40x100xf32, #tpu.memory_space<hbm>>
        %dma_start3A_132 = arith.constant 0 : i32
        %dma_start3A_133 = tpu.memref_slice %arg5[%add3A_50, %dma_start3A_132] : memref<3200x100xf32, #tpu.memory_space<hbm>> -> memref<40x100xf32, #tpu.memory_space<hbm>>
        tpu.enqueue_dma source(%dma_start3A_133 : memref<40x100xf32, #tpu.memory_space<hbm>>) target(%arg18 : memref<40x100xf32, #tpu.memory_space<vmem>>) target_semaphore(%run_scoped3A : memref<!tpu.dma_semaphore, #tpu.memory_space<semaphore_mem>>)
        %dma_wait3A_134 = arith.constant 0 : i32
        %dma_wait3A_135 = tpu.memref_slice %arg5[%add3A_50, %dma_wait3A_134] : memref<3200x100xf32, #tpu.memory_space<hbm>> -> memref<40x100xf32, #tpu.memory_space<hbm>>
        %dma_wait3A_136 = arith.constant 0 : i32
        %dma_wait3A_137 = tpu.memref_slice %arg5[%add3A_50, %dma_wait3A_136] : memref<3200x100xf32, #tpu.memory_space<hbm>> -> memref<40x100xf32, #tpu.memory_space<hbm>>
        tpu.wait_dma2 semaphore(%run_scoped3A : memref<!tpu.dma_semaphore, #tpu.memory_space<semaphore_mem>>) src(%dma_wait3A_137 : memref<40x100xf32, #tpu.memory_space<hbm>>) dst(%arg18 : memref<40x100xf32, #tpu.memory_space<vmem>>)
        tpu.yield
      }) : () -> ()
      %dma_start3A = arith.constant 0 : i32
      %dma_start3A_51 = arith.constant 0 : i32
      %dma_start3A_52 = tpu.memref_slice %arg17[%dma_start3A, %dma_start3A_51] : memref<40x100xi32, #tpu.memory_space<vmem>> -> memref<1x100xi32, #tpu.memory_space<vmem>>
      %dma_start3A_53 = tpu.memref_squeeze %dma_start3A_52 : memref<1x100xi32, #tpu.memory_space<vmem>> -> memref<100xi32, #tpu.memory_space<vmem>>
      %dma_start3A_54 = arith.constant 0 : i32
      %dma_start3A_55 = arith.constant 0 : i32
      %dma_start3A_56 = tpu.memref_slice %arg10[%dma_start3A_54, %dma_start3A_55] : memref<10000x64xbf16, #tpu.memory_space<vmem_shared>> -> memref<10000x64xbf16, #tpu.memory_space<vmem_shared>>
      tpu.enqueue_indirect_dma source(%dma_start3A_56 : memref<10000x64xbf16, #tpu.memory_space<vmem_shared>>) target(%arg19 : memref<100x64xbf16, #tpu.memory_space<vmem>>) offsets(%dma_start3A_53 : memref<100xi32, #tpu.memory_space<vmem>>) semaphore(%arg27 : memref<!tpu.dma_semaphore, #tpu.memory_space<semaphore_mem>>)
      %dma_wait3A = arith.constant 0 : i32
      %dma_wait3A_57 = arith.constant 0 : i32
      %dma_wait3A_58 = tpu.memref_slice %arg17[%dma_wait3A, %dma_wait3A_57] : memref<40x100xi32, #tpu.memory_space<vmem>> -> memref<1x100xi32, #tpu.memory_space<vmem>>
      %dma_wait3A_59 = tpu.memref_squeeze %dma_wait3A_58 : memref<1x100xi32, #tpu.memory_space<vmem>> -> memref<100xi32, #tpu.memory_space<vmem>>
      %dma_wait3A_60 = arith.constant 0 : i32
      %dma_wait3A_61 = arith.constant 0 : i32
      %dma_wait3A_62 = tpu.memref_slice %arg10[%dma_wait3A_60, %dma_wait3A_61] : memref<10000x64xbf16, #tpu.memory_space<vmem_shared>> -> memref<10000x64xbf16, #tpu.memory_space<vmem_shared>>
      tpu.wait_indirect_dma semaphore(%arg27 : memref<!tpu.dma_semaphore, #tpu.memory_space<semaphore_mem>>) src(%dma_wait3A_62 : memref<10000x64xbf16, #tpu.memory_space<vmem_shared>>) dst(%arg19 : memref<100x64xbf16, #tpu.memory_space<vmem>>)
      %dma_start3A_63 = arith.constant 1 : i32
      %dma_start3A_64 = arith.constant 0 : i32
      %dma_start3A_65 = tpu.memref_slice %arg17[%dma_start3A_63, %dma_start3A_64] : memref<40x100xi32, #tpu.memory_space<vmem>> -> memref<1x100xi32, #tpu.memory_space<vmem>>
      %dma_start3A_66 = tpu.memref_squeeze %dma_start3A_65 : memref<1x100xi32, #tpu.memory_space<vmem>> -> memref<100xi32, #tpu.memory_space<vmem>>
      %dma_start3A_67 = arith.constant 0 : i32
      %dma_start3A_68 = arith.constant 0 : i32
      %dma_start3A_69 = tpu.memref_slice %arg10[%dma_start3A_67, %dma_start3A_68] : memref<10000x64xbf16, #tpu.memory_space<vmem_shared>> -> memref<10000x64xbf16, #tpu.memory_space<vmem_shared>>
      tpu.enqueue_indirect_dma source(%dma_start3A_69 : memref<10000x64xbf16, #tpu.memory_space<vmem_shared>>) target(%arg20 : memref<100x64xbf16, #tpu.memory_space<vmem>>) offsets(%dma_start3A_66 : memref<100xi32, #tpu.memory_space<vmem>>) semaphore(%arg28 : memref<!tpu.dma_semaphore, #tpu.memory_space<semaphore_mem>>)
      %parallel_loop3A_70 = arith.constant 0 : i32
      %parallel_loop3A_71 = arith.constant 100 : i32
      %parallel_loop3A_72 = arith.constant 1 : i32
      scf.for %parallel_loop3A_130 = %parallel_loop3A_70 to %parallel_loop3A_71 step %parallel_loop3A_72  : i32 {
        %parallel_loop3A_131 = arith.constant 0 : i32
        %parallel_loop3A_132 = vector.broadcast %parallel_loop3A_131 : i32 to vector<16xi32>
        %parallel_loop3A_133 = vector.broadcast %parallel_loop3A_130 : i32 to vector<16xi32>
        %parallel_loop3A_134 = tpu.vector_load_idx %arg18[%parallel_loop3A_132, %parallel_loop3A_133] : memref<40x100xf32, #tpu.memory_space<vmem>>[vector<16xi32>, vector<16xi32>], vector<16xf32>,
        %parallel_loop3A_135 = arith.index_cast %parallel_loop3A_130 : i32 to index
        %parallel_loop3A_136 = arith.constant 0 : index
        %parallel_loop3A_137 = tpu.vector_load %arg19[%parallel_loop3A_135, %parallel_loop3A_136] {strides = array<i32>} : memref<100x64xbf16, #tpu.memory_space<vmem>>, vector<32xbf16>,
        %parallel_loop3A_138 = tpu.unpack_subelements %parallel_loop3A_137, 0 {pack_format = #tpu.pack_format<interleaved>} : vector<32xbf16> -> vector<16xf32>
        %parallel_loop3A_139 = tpu.unpack_subelements %parallel_loop3A_137, 1 {pack_format = #tpu.pack_format<interleaved>} : vector<32xbf16> -> vector<16xf32>
        %parallel_loop3A_140 = arith.mulf %parallel_loop3A_138, %parallel_loop3A_134 : vector<16xf32>
        %parallel_loop3A_141 = arith.index_cast %parallel_loop3A_130 : i32 to index
        %parallel_loop3A_142 = arith.constant 0 : index
        %parallel_loop3A_143 = tpu.vector_load %arg21[%parallel_loop3A_141, %parallel_loop3A_142] {strides = array<i32>} : memref<100x64xf32, #tpu.memory_space<vmem>>, vector<16xf32>,
        tpu.vector_store %arg21[%parallel_loop3A_141, %parallel_loop3A_142], %parallel_loop3A_140 {strides = array<i32>} : memref<100x64xf32, #tpu.memory_space<vmem>>, vector<16xf32>,
        %parallel_loop3A_144 = arith.mulf %parallel_loop3A_139, %parallel_loop3A_134 : vector<16xf32>
        %parallel_loop3A_145 = arith.index_cast %parallel_loop3A_130 : i32 to index
        %parallel_loop3A_146 = arith.constant 16 : index
        %parallel_loop3A_147 = tpu.vector_load %arg21[%parallel_loop3A_145, %parallel_loop3A_146] {strides = array<i32>} : memref<100x64xf32, #tpu.memory_space<vmem>>, vector<16xf32>,
        tpu.vector_store %arg21[%parallel_loop3A_145, %parallel_loop3A_146], %parallel_loop3A_144 {strides = array<i32>} : memref<100x64xf32, #tpu.memory_space<vmem>>, vector<16xf32>,
        %parallel_loop3A_148 = arith.index_cast %parallel_loop3A_130 : i32 to index
        %parallel_loop3A_149 = arith.constant 32 : index
        %parallel_loop3A_150 = tpu.vector_load %arg19[%parallel_loop3A_148, %parallel_loop3A_149] {strides = array<i32>} : memref<100x64xbf16, #tpu.memory_space<vmem>>, vector<32xbf16>,
        %parallel_loop3A_151 = tpu.unpack_subelements %parallel_loop3A_150, 0 {pack_format = #tpu.pack_format<interleaved>} : vector<32xbf16> -> vector<16xf32>
        %parallel_loop3A_152 = tpu.unpack_subelements %parallel_loop3A_150, 1 {pack_format = #tpu.pack_format<interleaved>} : vector<32xbf16> -> vector<16xf32>
        %parallel_loop3A_153 = arith.mulf %parallel_loop3A_151, %parallel_loop3A_134 : vector<16xf32>
        %parallel_loop3A_154 = arith.index_cast %parallel_loop3A_130 : i32 to index
        %parallel_loop3A_155 = arith.constant 32 : index
        %parallel_loop3A_156 = tpu.vector_load %arg21[%parallel_loop3A_154, %parallel_loop3A_155] {strides = array<i32>} : memref<100x64xf32, #tpu.memory_space<vmem>>, vector<16xf32>,
        tpu.vector_store %arg21[%parallel_loop3A_154, %parallel_loop3A_155], %parallel_loop3A_153 {strides = array<i32>} : memref<100x64xf32, #tpu.memory_space<vmem>>, vector<16xf32>,
        %parallel_loop3A_157 = arith.mulf %parallel_loop3A_152, %parallel_loop3A_134 : vector<16xf32>
        %parallel_loop3A_158 = arith.index_cast %parallel_loop3A_130 : i32 to index
        %parallel_loop3A_159 = arith.constant 48 : index
        %parallel_loop3A_160 = tpu.vector_load %arg21[%parallel_loop3A_158, %parallel_loop3A_159] {strides = array<i32>} : memref<100x64xf32, #tpu.memory_space<vmem>>, vector<16xf32>,
        tpu.vector_store %arg21[%parallel_loop3A_158, %parallel_loop3A_159], %parallel_loop3A_157 {strides = array<i32>} : memref<100x64xf32, #tpu.memory_space<vmem>>, vector<16xf32>,
      } {sc.loop_unroll_factor = 2 : i64, sc.parallel_access}
      %dma_start3A_73 = arith.constant 0 : i32
      %dma_start3A_74 = arith.constant 0 : i32
      %dma_start3A_75 = tpu.memref_slice %arg16[%dma_start3A_73, %dma_start3A_74] : memref<40x100xi32, #tpu.memory_space<vmem>> -> memref<1x100xi32, #tpu.memory_space<vmem>>
      %dma_start3A_76 = tpu.memref_squeeze %dma_start3A_75 : memref<1x100xi32, #tpu.memory_space<vmem>> -> memref<100xi32, #tpu.memory_space<vmem>>
      %dma_start3A_77 = arith.constant 0 : i32
      %dma_start3A_78 = arith.constant 0 : i32
      %dma_start3A_79 = tpu.memref_slice %arg11[%dma_start3A_77, %dma_start3A_78] : memref<10000x64xf32, #tpu.memory_space<vmem_shared>> -> memref<10000x64xf32, #tpu.memory_space<vmem_shared>>
      tpu.enqueue_indirect_dma source(%arg21 : memref<100x64xf32, #tpu.memory_space<vmem>>) target(%dma_start3A_79 : memref<10000x64xf32, #tpu.memory_space<vmem_shared>>) offsets(%dma_start3A_76 : memref<100xi32, #tpu.memory_space<vmem>>) semaphore(%arg29 : memref<!tpu.dma_semaphore, #tpu.memory_space<semaphore_mem>>) {add = true}
      %dma_wait3A_80 = arith.constant 1 : i32
      %dma_wait3A_81 = arith.constant 0 : i32
      %dma_wait3A_82 = tpu.memref_slice %arg17[%dma_wait3A_80, %dma_wait3A_81] : memref<40x100xi32, #tpu.memory_space<vmem>> -> memref<1x100xi32, #tpu.memory_space<vmem>>
      %dma_wait3A_83 = tpu.memref_squeeze %dma_wait3A_82 : memref<1x100xi32, #tpu.memory_space<vmem>> -> memref<100xi32, #tpu.memory_space<vmem>>
      %dma_wait3A_84 = arith.constant 0 : i32
      %dma_wait3A_85 = arith.constant 0 : i32
      %dma_wait3A_86 = tpu.memref_slice %arg10[%dma_wait3A_84, %dma_wait3A_85] : memref<10000x64xbf16, #tpu.memory_space<vmem_shared>> -> memref<10000x64xbf16, #tpu.memory_space<vmem_shared>>
      tpu.wait_indirect_dma semaphore(%arg28 : memref<!tpu.dma_semaphore, #tpu.memory_space<semaphore_mem>>) src(%dma_wait3A_86 : memref<10000x64xbf16, #tpu.memory_space<vmem_shared>>) dst(%arg20 : memref<100x64xbf16, #tpu.memory_space<vmem>>)
      %dma_start3A_87 = arith.constant 2 : i32
      %dma_start3A_88 = arith.constant 0 : i32
      %dma_start3A_89 = tpu.memref_slice %arg17[%dma_start3A_87, %dma_start3A_88] : memref<40x100xi32, #tpu.memory_space<vmem>> -> memref<1x100xi32, #tpu.memory_space<vmem>>
      %dma_start3A_90 = tpu.memref_squeeze %dma_start3A_89 : memref<1x100xi32, #tpu.memory_space<vmem>> -> memref<100xi32, #tpu.memory_space<vmem>>
      %dma_start3A_91 = arith.constant 0 : i32
      %dma_start3A_92 = arith.constant 0 : i32
      %dma_start3A_93 = tpu.memref_slice %arg10[%dma_start3A_91, %dma_start3A_92] : memref<10000x64xbf16, #tpu.memory_space<vmem_shared>> -> memref<10000x64xbf16, #tpu.memory_space<vmem_shared>>
      tpu.enqueue_indirect_dma source(%dma_start3A_93 : memref<10000x64xbf16, #tpu.memory_space<vmem_shared>>) target(%arg19 : memref<100x64xbf16, #tpu.memory_space<vmem>>) offsets(%dma_start3A_90 : memref<100xi32, #tpu.memory_space<vmem>>) semaphore(%arg27 : memref<!tpu.dma_semaphore, #tpu.memory_space<semaphore_mem>>)
      %parallel_loop3A_94 = arith.constant 0 : i32
      %parallel_loop3A_95 = arith.constant 100 : i32
      %parallel_loop3A_96 = arith.constant 1 : i32
      scf.for %parallel_loop3A_130 = %parallel_loop3A_94 to %parallel_loop3A_95 step %parallel_loop3A_96  : i32 {
        %parallel_loop3A_131 = arith.constant 1 : i32
        %parallel_loop3A_132 = vector.broadcast %parallel_loop3A_131 : i32 to vector<16xi32>
        %parallel_loop3A_133 = vector.broadcast %parallel_loop3A_130 : i32 to vector<16xi32>
        %parallel_loop3A_134 = tpu.vector_load_idx %arg18[%parallel_loop3A_132, %parallel_loop3A_133] : memref<40x100xf32, #tpu.memory_space<vmem>>[vector<16xi32>, vector<16xi32>], vector<16xf32>,
        %parallel_loop3A_135 = arith.index_cast %parallel_loop3A_130 : i32 to index
        %parallel_loop3A_136 = arith.constant 0 : index
        %parallel_loop3A_137 = tpu.vector_load %arg20[%parallel_loop3A_135, %parallel_loop3A_136] {strides = array<i32>} : memref<100x64xbf16, #tpu.memory_space<vmem>>, vector<32xbf16>,
        %parallel_loop3A_138 = tpu.unpack_subelements %parallel_loop3A_137, 0 {pack_format = #tpu.pack_format<interleaved>} : vector<32xbf16> -> vector<16xf32>
        %parallel_loop3A_139 = tpu.unpack_subelements %parallel_loop3A_137, 1 {pack_format = #tpu.pack_format<interleaved>} : vector<32xbf16> -> vector<16xf32>
        %parallel_loop3A_140 = arith.mulf %parallel_loop3A_138, %parallel_loop3A_134 : vector<16xf32>
        %parallel_loop3A_141 = arith.index_cast %parallel_loop3A_130 : i32 to index
        %parallel_loop3A_142 = arith.constant 0 : index
        %parallel_loop3A_143 = tpu.vector_load %arg22[%parallel_loop3A_141, %parallel_loop3A_142] {strides = array<i32>} : memref<100x64xf32, #tpu.memory_space<vmem>>, vector<16xf32>,
        tpu.vector_store %arg22[%parallel_loop3A_141, %parallel_loop3A_142], %parallel_loop3A_140 {strides = array<i32>} : memref<100x64xf32, #tpu.memory_space<vmem>>, vector<16xf32>,
        %parallel_loop3A_144 = arith.mulf %parallel_loop3A_139, %parallel_loop3A_134 : vector<16xf32>
        %parallel_loop3A_145 = arith.index_cast %parallel_loop3A_130 : i32 to index
        %parallel_loop3A_146 = arith.constant 16 : index
        %parallel_loop3A_147 = tpu.vector_load %arg22[%parallel_loop3A_145, %parallel_loop3A_146] {strides = array<i32>} : memref<100x64xf32, #tpu.memory_space<vmem>>, vector<16xf32>,
        tpu.vector_store %arg22[%parallel_loop3A_145, %parallel_loop3A_146], %parallel_loop3A_144 {strides = array<i32>} : memref<100x64xf32, #tpu.memory_space<vmem>>, vector<16xf32>,
        %parallel_loop3A_148 = arith.index_cast %parallel_loop3A_130 : i32 to index
        %parallel_loop3A_149 = arith.constant 32 : index
        %parallel_loop3A_150 = tpu.vector_load %arg20[%parallel_loop3A_148, %parallel_loop3A_149] {strides = array<i32>} : memref<100x64xbf16, #tpu.memory_space<vmem>>, vector<32xbf16>,
        %parallel_loop3A_151 = tpu.unpack_subelements %parallel_loop3A_150, 0 {pack_format = #tpu.pack_format<interleaved>} : vector<32xbf16> -> vector<16xf32>
        %parallel_loop3A_152 = tpu.unpack_subelements %parallel_loop3A_150, 1 {pack_format = #tpu.pack_format<interleaved>} : vector<32xbf16> -> vector<16xf32>
        %parallel_loop3A_153 = arith.mulf %parallel_loop3A_151, %parallel_loop3A_134 : vector<16xf32>
        %parallel_loop3A_154 = arith.index_cast %parallel_loop3A_130 : i32 to index
        %parallel_loop3A_155 = arith.constant 32 : index
        %parallel_loop3A_156 = tpu.vector_load %arg22[%parallel_loop3A_154, %parallel_loop3A_155] {strides = array<i32>} : memref<100x64xf32, #tpu.memory_space<vmem>>, vector<16xf32>,
        tpu.vector_store %arg22[%parallel_loop3A_154, %parallel_loop3A_155], %parallel_loop3A_153 {strides = array<i32>} : memref<100x64xf32, #tpu.memory_space<vmem>>, vector<16xf32>,
        %parallel_loop3A_157 = arith.mulf %parallel_loop3A_152, %parallel_loop3A_134 : vector<16xf32>
        %parallel_loop3A_158 = arith.index_cast %parallel_loop3A_130 : i32 to index
        %parallel_loop3A_159 = arith.constant 48 : index
        %parallel_loop3A_160 = tpu.vector_load %arg22[%parallel_loop3A_158, %parallel_loop3A_159] {strides = array<i32>} : memref<100x64xf32, #tpu.memory_space<vmem>>, vector<16xf32>,
        tpu.vector_store %arg22[%parallel_loop3A_158, %parallel_loop3A_159], %parallel_loop3A_157 {strides = array<i32>} : memref<100x64xf32, #tpu.memory_space<vmem>>, vector<16xf32>,
      } {sc.loop_unroll_factor = 2 : i64, sc.parallel_access}
      %dma_start3A_97 = arith.constant 1 : i32
      %dma_start3A_98 = arith.constant 0 : i32
      %dma_start3A_99 = tpu.memref_slice %arg16[%dma_start3A_97, %dma_start3A_98] : memref<40x100xi32, #tpu.memory_space<vmem>> -> memref<1x100xi32, #tpu.memory_space<vmem>>
      %dma_start3A_100 = tpu.memref_squeeze %dma_start3A_99 : memref<1x100xi32, #tpu.memory_space<vmem>> -> memref<100xi32, #tpu.memory_space<vmem>>
      %dma_start3A_101 = arith.constant 0 : i32
      %dma_start3A_102 = arith.constant 0 : i32
      %dma_start3A_103 = tpu.memref_slice %arg11[%dma_start3A_101, %dma_start3A_102] : memref<10000x64xf32, #tpu.memory_space<vmem_shared>> -> memref<10000x64xf32, #tpu.memory_space<vmem_shared>>
      tpu.enqueue_indirect_dma source(%arg22 : memref<100x64xf32, #tpu.memory_space<vmem>>) target(%dma_start3A_103 : memref<10000x64xf32, #tpu.memory_space<vmem_shared>>) offsets(%dma_start3A_100 : memref<100xi32, #tpu.memory_space<vmem>>) semaphore(%arg30 : memref<!tpu.dma_semaphore, #tpu.memory_space<semaphore_mem>>) {add = true}
      %scan3A_104 = arith.constant 0 : i32
      %scan3A_105 = arith.constant 19 : i32
      %scan3A_106 = arith.addi %scan3A_104, %scan3A_105 : i32
      %scan3A_107 = arith.constant 1 : i32
      scf.for %scan3A_130 = %scan3A_104 to %scan3A_106 step %scan3A_107  : i32 {
        %mul3A_131 = arith.constant 1 : i32
        %mul3A_132 = arith.muli %scan3A_130, %mul3A_131 : i32
        %add3A_133 = arith.constant 0 : i32
        %add3A_134 = arith.addi %add3A_133, %mul3A_132 : i32
        %mul3A_135 = arith.constant 2 : i32
        %mul3A_136 = arith.muli %mul3A_135, %add3A_134 : i32
        %add3A_137 = arith.constant 2 : i32
        %add3A_138 = arith.addi %add3A_137, %mul3A_136 : i32
        %dma_wait3A_139 = arith.constant 0 : i32
        %dma_wait3A_140 = tpu.memref_slice %arg17[%add3A_138, %dma_wait3A_139] : memref<40x100xi32, #tpu.memory_space<vmem>> -> memref<1x100xi32, #tpu.memory_space<vmem>>
        %dma_wait3A_141 = tpu.memref_squeeze %dma_wait3A_140 : memref<1x100xi32, #tpu.memory_space<vmem>> -> memref<100xi32, #tpu.memory_space<vmem>>
        %dma_wait3A_142 = arith.constant 0 : i32
        %dma_wait3A_143 = arith.constant 0 : i32
        %dma_wait3A_144 = tpu.memref_slice %arg10[%dma_wait3A_142, %dma_wait3A_143] : memref<10000x64xbf16, #tpu.memory_space<vmem_shared>> -> memref<10000x64xbf16, #tpu.memory_space<vmem_shared>>
        tpu.wait_indirect_dma semaphore(%arg27 : memref<!tpu.dma_semaphore, #tpu.memory_space<semaphore_mem>>) src(%dma_wait3A_144 : memref<10000x64xbf16, #tpu.memory_space<vmem_shared>>) dst(%arg19 : memref<100x64xbf16, #tpu.memory_space<vmem>>)
        %add3A_145 = arith.constant 1 : i32
        %add3A_146 = arith.addi %add3A_138, %add3A_145 : i32
        %dma_start3A_147 = arith.constant 0 : i32
        %dma_start3A_148 = tpu.memref_slice %arg17[%add3A_146, %dma_start3A_147] : memref<40x100xi32, #tpu.memory_space<vmem>> -> memref<1x100xi32, #tpu.memory_space<vmem>>
        %dma_start3A_149 = tpu.memref_squeeze %dma_start3A_148 : memref<1x100xi32, #tpu.memory_space<vmem>> -> memref<100xi32, #tpu.memory_space<vmem>>
        %dma_start3A_150 = arith.constant 0 : i32
        %dma_start3A_151 = arith.constant 0 : i32
        %dma_start3A_152 = tpu.memref_slice %arg10[%dma_start3A_150, %dma_start3A_151] : memref<10000x64xbf16, #tpu.memory_space<vmem_shared>> -> memref<10000x64xbf16, #tpu.memory_space<vmem_shared>>
        tpu.enqueue_indirect_dma source(%dma_start3A_152 : memref<10000x64xbf16, #tpu.memory_space<vmem_shared>>) target(%arg20 : memref<100x64xbf16, #tpu.memory_space<vmem>>) offsets(%dma_start3A_149 : memref<100xi32, #tpu.memory_space<vmem>>) semaphore(%arg28 : memref<!tpu.dma_semaphore, #tpu.memory_space<semaphore_mem>>)
        %sub3A = arith.constant 2 : i32
        %sub3A_153 = arith.subi %add3A_138, %sub3A : i32
        %dma_wait3A_154 = arith.constant 0 : i32
        %dma_wait3A_155 = tpu.memref_slice %arg16[%sub3A_153, %dma_wait3A_154] : memref<40x100xi32, #tpu.memory_space<vmem>> -> memref<1x100xi32, #tpu.memory_space<vmem>>
        %dma_wait3A_156 = tpu.memref_squeeze %dma_wait3A_155 : memref<1x100xi32, #tpu.memory_space<vmem>> -> memref<100xi32, #tpu.memory_space<vmem>>
        %dma_wait3A_157 = arith.constant 0 : i32
        %dma_wait3A_158 = arith.constant 0 : i32
        %dma_wait3A_159 = tpu.memref_slice %arg11[%dma_wait3A_157, %dma_wait3A_158] : memref<10000x64xf32, #tpu.memory_space<vmem_shared>> -> memref<10000x64xf32, #tpu.memory_space<vmem_shared>>
        tpu.wait_indirect_dma semaphore(%arg29 : memref<!tpu.dma_semaphore, #tpu.memory_space<semaphore_mem>>) src(%arg21 : memref<100x64xf32, #tpu.memory_space<vmem>>) dst(%dma_wait3A_159 : memref<10000x64xf32, #tpu.memory_space<vmem_shared>>)
        %parallel_loop3A_160 = arith.constant 0 : i32
        %parallel_loop3A_161 = arith.constant 100 : i32
        %parallel_loop3A_162 = arith.constant 1 : i32
        scf.for %parallel_loop3A_207 = %parallel_loop3A_160 to %parallel_loop3A_161 step %parallel_loop3A_162  : i32 {
          %parallel_loop3A_208 = vector.broadcast %add3A_138 : i32 to vector<16xi32>
          %parallel_loop3A_209 = vector.broadcast %parallel_loop3A_207 : i32 to vector<16xi32>
          %parallel_loop3A_210 = tpu.vector_load_idx %arg18[%parallel_loop3A_208, %parallel_loop3A_209] : memref<40x100xf32, #tpu.memory_space<vmem>>[vector<16xi32>, vector<16xi32>], vector<16xf32>,
          %parallel_loop3A_211 = arith.index_cast %parallel_loop3A_207 : i32 to index
          %parallel_loop3A_212 = arith.constant 0 : index
          %parallel_loop3A_213 = tpu.vector_load %arg19[%parallel_loop3A_211, %parallel_loop3A_212] {strides = array<i32>} : memref<100x64xbf16, #tpu.memory_space<vmem>>, vector<32xbf16>,
          %parallel_loop3A_214 = tpu.unpack_subelements %parallel_loop3A_213, 0 {pack_format = #tpu.pack_format<interleaved>} : vector<32xbf16> -> vector<16xf32>
          %parallel_loop3A_215 = tpu.unpack_subelements %parallel_loop3A_213, 1 {pack_format = #tpu.pack_format<interleaved>} : vector<32xbf16> -> vector<16xf32>
          %parallel_loop3A_216 = arith.mulf %parallel_loop3A_214, %parallel_loop3A_210 : vector<16xf32>
          %parallel_loop3A_217 = arith.index_cast %parallel_loop3A_207 : i32 to index
          %parallel_loop3A_218 = arith.constant 0 : index
          %parallel_loop3A_219 = tpu.vector_load %arg21[%parallel_loop3A_217, %parallel_loop3A_218] {strides = array<i32>} : memref<100x64xf32, #tpu.memory_space<vmem>>, vector<16xf32>,
          tpu.vector_store %arg21[%parallel_loop3A_217, %parallel_loop3A_218], %parallel_loop3A_216 {strides = array<i32>} : memref<100x64xf32, #tpu.memory_space<vmem>>, vector<16xf32>,
          %parallel_loop3A_220 = arith.mulf %parallel_loop3A_215, %parallel_loop3A_210 : vector<16xf32>
          %parallel_loop3A_221 = arith.index_cast %parallel_loop3A_207 : i32 to index
          %parallel_loop3A_222 = arith.constant 16 : index
          %parallel_loop3A_223 = tpu.vector_load %arg21[%parallel_loop3A_221, %parallel_loop3A_222] {strides = array<i32>} : memref<100x64xf32, #tpu.memory_space<vmem>>, vector<16xf32>,
          tpu.vector_store %arg21[%parallel_loop3A_221, %parallel_loop3A_222], %parallel_loop3A_220 {strides = array<i32>} : memref<100x64xf32, #tpu.memory_space<vmem>>, vector<16xf32>,
          %parallel_loop3A_224 = arith.index_cast %parallel_loop3A_207 : i32 to index
          %parallel_loop3A_225 = arith.constant 32 : index
          %parallel_loop3A_226 = tpu.vector_load %arg19[%parallel_loop3A_224, %parallel_loop3A_225] {strides = array<i32>} : memref<100x64xbf16, #tpu.memory_space<vmem>>, vector<32xbf16>,
          %parallel_loop3A_227 = tpu.unpack_subelements %parallel_loop3A_226, 0 {pack_format = #tpu.pack_format<interleaved>} : vector<32xbf16> -> vector<16xf32>
          %parallel_loop3A_228 = tpu.unpack_subelements %parallel_loop3A_226, 1 {pack_format = #tpu.pack_format<interleaved>} : vector<32xbf16> -> vector<16xf32>
          %parallel_loop3A_229 = arith.mulf %parallel_loop3A_227, %parallel_loop3A_210 : vector<16xf32>
          %parallel_loop3A_230 = arith.index_cast %parallel_loop3A_207 : i32 to index
          %parallel_loop3A_231 = arith.constant 32 : index
          %parallel_loop3A_232 = tpu.vector_load %arg21[%parallel_loop3A_230, %parallel_loop3A_231] {strides = array<i32>} : memref<100x64xf32, #tpu.memory_space<vmem>>, vector<16xf32>,
          tpu.vector_store %arg21[%parallel_loop3A_230, %parallel_loop3A_231], %parallel_loop3A_229 {strides = array<i32>} : memref<100x64xf32, #tpu.memory_space<vmem>>, vector<16xf32>,
          %parallel_loop3A_233 = arith.mulf %parallel_loop3A_228, %parallel_loop3A_210 : vector<16xf32>
          %parallel_loop3A_234 = arith.index_cast %parallel_loop3A_207 : i32 to index
          %parallel_loop3A_235 = arith.constant 48 : index
          %parallel_loop3A_236 = tpu.vector_load %arg21[%parallel_loop3A_234, %parallel_loop3A_235] {strides = array<i32>} : memref<100x64xf32, #tpu.memory_space<vmem>>, vector<16xf32>,
          tpu.vector_store %arg21[%parallel_loop3A_234, %parallel_loop3A_235], %parallel_loop3A_233 {strides = array<i32>} : memref<100x64xf32, #tpu.memory_space<vmem>>, vector<16xf32>,
        } {sc.loop_unroll_factor = 2 : i64, sc.parallel_access}
        %dma_start3A_163 = arith.constant 0 : i32
        %dma_start3A_164 = tpu.memref_slice %arg16[%add3A_138, %dma_start3A_163] : memref<40x100xi32, #tpu.memory_space<vmem>> -> memref<1x100xi32, #tpu.memory_space<vmem>>
        %dma_start3A_165 = tpu.memref_squeeze %dma_start3A_164 : memref<1x100xi32, #tpu.memory_space<vmem>> -> memref<100xi32, #tpu.memory_space<vmem>>
        %dma_start3A_166 = arith.constant 0 : i32
        %dma_start3A_167 = arith.constant 0 : i32
        %dma_start3A_168 = tpu.memref_slice %arg11[%dma_start3A_166, %dma_start3A_167] : memref<10000x64xf32, #tpu.memory_space<vmem_shared>> -> memref<10000x64xf32, #tpu.memory_space<vmem_shared>>
        tpu.enqueue_indirect_dma source(%arg21 : memref<100x64xf32, #tpu.memory_space<vmem>>) target(%dma_start3A_168 : memref<10000x64xf32, #tpu.memory_space<vmem_shared>>) offsets(%dma_start3A_165 : memref<100xi32, #tpu.memory_space<vmem>>) semaphore(%arg29 : memref<!tpu.dma_semaphore, #tpu.memory_space<semaphore_mem>>) {add = true}
        %add3A_169 = arith.constant 1 : i32
        %add3A_170 = arith.addi %add3A_138, %add3A_169 : i32
        %dma_wait3A_171 = arith.constant 0 : i32
        %dma_wait3A_172 = tpu.memref_slice %arg17[%add3A_170, %dma_wait3A_171] : memref<40x100xi32, #tpu.memory_space<vmem>> -> memref<1x100xi32, #tpu.memory_space<vmem>>
        %dma_wait3A_173 = tpu.memref_squeeze %dma_wait3A_172 : memref<1x100xi32, #tpu.memory_space<vmem>> -> memref<100xi32, #tpu.memory_space<vmem>>
        %dma_wait3A_174 = arith.constant 0 : i32
        %dma_wait3A_175 = arith.constant 0 : i32
        %dma_wait3A_176 = tpu.memref_slice %arg10[%dma_wait3A_174, %dma_wait3A_175] : memref<10000x64xbf16, #tpu.memory_space<vmem_shared>> -> memref<10000x64xbf16, #tpu.memory_space<vmem_shared>>
        tpu.wait_indirect_dma semaphore(%arg28 : memref<!tpu.dma_semaphore, #tpu.memory_space<semaphore_mem>>) src(%dma_wait3A_176 : memref<10000x64xbf16, #tpu.memory_space<vmem_shared>>) dst(%arg20 : memref<100x64xbf16, #tpu.memory_space<vmem>>)
        %add3A_177 = arith.constant 2 : i32
        %add3A_178 = arith.addi %add3A_138, %add3A_177 : i32
        %min3A = arith.constant 39 : i32
        %min3A_179 = arith.minsi %add3A_178, %min3A : i32
        %dma_start3A_180 = arith.constant 0 : i32
        %dma_start3A_181 = tpu.memref_slice %arg17[%min3A_179, %dma_start3A_180] : memref<40x100xi32, #tpu.memory_space<vmem>> -> memref<1x100xi32, #tpu.memory_space<vmem>>
        %dma_start3A_182 = tpu.memref_squeeze %dma_start3A_181 : memref<1x100xi32, #tpu.memory_space<vmem>> -> memref<100xi32, #tpu.memory_space<vmem>>
        %dma_start3A_183 = arith.constant 0 : i32
        %dma_start3A_184 = arith.constant 0 : i32
        %dma_start3A_185 = tpu.memref_slice %arg10[%dma_start3A_183, %dma_start3A_184] : memref<10000x64xbf16, #tpu.memory_space<vmem_shared>> -> memref<10000x64xbf16, #tpu.memory_space<vmem_shared>>
        tpu.enqueue_indirect_dma source(%dma_start3A_185 : memref<10000x64xbf16, #tpu.memory_space<vmem_shared>>) target(%arg19 : memref<100x64xbf16, #tpu.memory_space<vmem>>) offsets(%dma_start3A_182 : memref<100xi32, #tpu.memory_space<vmem>>) semaphore(%arg27 : memref<!tpu.dma_semaphore, #tpu.memory_space<semaphore_mem>>)
        %sub3A_186 = arith.constant 1 : i32
        %sub3A_187 = arith.subi %add3A_138, %sub3A_186 : i32
        %dma_wait3A_188 = arith.constant 0 : i32
        %dma_wait3A_189 = tpu.memref_slice %arg16[%sub3A_187, %dma_wait3A_188] : memref<40x100xi32, #tpu.memory_space<vmem>> -> memref<1x100xi32, #tpu.memory_space<vmem>>
        %dma_wait3A_190 = tpu.memref_squeeze %dma_wait3A_189 : memref<1x100xi32, #tpu.memory_space<vmem>> -> memref<100xi32, #tpu.memory_space<vmem>>
        %dma_wait3A_191 = arith.constant 0 : i32
        %dma_wait3A_192 = arith.constant 0 : i32
        %dma_wait3A_193 = tpu.memref_slice %arg11[%dma_wait3A_191, %dma_wait3A_192] : memref<10000x64xf32, #tpu.memory_space<vmem_shared>> -> memref<10000x64xf32, #tpu.memory_space<vmem_shared>>
        tpu.wait_indirect_dma semaphore(%arg30 : memref<!tpu.dma_semaphore, #tpu.memory_space<semaphore_mem>>) src(%arg22 : memref<100x64xf32, #tpu.memory_space<vmem>>) dst(%dma_wait3A_193 : memref<10000x64xf32, #tpu.memory_space<vmem_shared>>)
        %add3A_194 = arith.constant 1 : i32
        %add3A_195 = arith.addi %add3A_138, %add3A_194 : i32
        %parallel_loop3A_196 = arith.constant 0 : i32
        %parallel_loop3A_197 = arith.constant 100 : i32
        %parallel_loop3A_198 = arith.constant 1 : i32
        scf.for %parallel_loop3A_207 = %parallel_loop3A_196 to %parallel_loop3A_197 step %parallel_loop3A_198  : i32 {
          %parallel_loop3A_208 = vector.broadcast %add3A_195 : i32 to vector<16xi32>
          %parallel_loop3A_209 = vector.broadcast %parallel_loop3A_207 : i32 to vector<16xi32>
          %parallel_loop3A_210 = tpu.vector_load_idx %arg18[%parallel_loop3A_208, %parallel_loop3A_209] : memref<40x100xf32, #tpu.memory_space<vmem>>[vector<16xi32>, vector<16xi32>], vector<16xf32>,
          %parallel_loop3A_211 = arith.index_cast %parallel_loop3A_207 : i32 to index
          %parallel_loop3A_212 = arith.constant 0 : index
          %parallel_loop3A_213 = tpu.vector_load %arg20[%parallel_loop3A_211, %parallel_loop3A_212] {strides = array<i32>} : memref<100x64xbf16, #tpu.memory_space<vmem>>, vector<32xbf16>,
          %parallel_loop3A_214 = tpu.unpack_subelements %parallel_loop3A_213, 0 {pack_format = #tpu.pack_format<interleaved>} : vector<32xbf16> -> vector<16xf32>
          %parallel_loop3A_215 = tpu.unpack_subelements %parallel_loop3A_213, 1 {pack_format = #tpu.pack_format<interleaved>} : vector<32xbf16> -> vector<16xf32>
          %parallel_loop3A_216 = arith.mulf %parallel_loop3A_214, %parallel_loop3A_210 : vector<16xf32>
          %parallel_loop3A_217 = arith.index_cast %parallel_loop3A_207 : i32 to index
          %parallel_loop3A_218 = arith.constant 0 : index
          %parallel_loop3A_219 = tpu.vector_load %arg22[%parallel_loop3A_217, %parallel_loop3A_218] {strides = array<i32>} : memref<100x64xf32, #tpu.memory_space<vmem>>, vector<16xf32>,
          tpu.vector_store %arg22[%parallel_loop3A_217, %parallel_loop3A_218], %parallel_loop3A_216 {strides = array<i32>} : memref<100x64xf32, #tpu.memory_space<vmem>>, vector<16xf32>,
          %parallel_loop3A_220 = arith.mulf %parallel_loop3A_215, %parallel_loop3A_210 : vector<16xf32>
          %parallel_loop3A_221 = arith.index_cast %parallel_loop3A_207 : i32 to index
          %parallel_loop3A_222 = arith.constant 16 : index
          %parallel_loop3A_223 = tpu.vector_load %arg22[%parallel_loop3A_221, %parallel_loop3A_222] {strides = array<i32>} : memref<100x64xf32, #tpu.memory_space<vmem>>, vector<16xf32>,
          tpu.vector_store %arg22[%parallel_loop3A_221, %parallel_loop3A_222], %parallel_loop3A_220 {strides = array<i32>} : memref<100x64xf32, #tpu.memory_space<vmem>>, vector<16xf32>,
          %parallel_loop3A_224 = arith.index_cast %parallel_loop3A_207 : i32 to index
          %parallel_loop3A_225 = arith.constant 32 : index
          %parallel_loop3A_226 = tpu.vector_load %arg20[%parallel_loop3A_224, %parallel_loop3A_225] {strides = array<i32>} : memref<100x64xbf16, #tpu.memory_space<vmem>>, vector<32xbf16>,
          %parallel_loop3A_227 = tpu.unpack_subelements %parallel_loop3A_226, 0 {pack_format = #tpu.pack_format<interleaved>} : vector<32xbf16> -> vector<16xf32>
          %parallel_loop3A_228 = tpu.unpack_subelements %parallel_loop3A_226, 1 {pack_format = #tpu.pack_format<interleaved>} : vector<32xbf16> -> vector<16xf32>
          %parallel_loop3A_229 = arith.mulf %parallel_loop3A_227, %parallel_loop3A_210 : vector<16xf32>
          %parallel_loop3A_230 = arith.index_cast %parallel_loop3A_207 : i32 to index
          %parallel_loop3A_231 = arith.constant 32 : index
          %parallel_loop3A_232 = tpu.vector_load %arg22[%parallel_loop3A_230, %parallel_loop3A_231] {strides = array<i32>} : memref<100x64xf32, #tpu.memory_space<vmem>>, vector<16xf32>,
          tpu.vector_store %arg22[%parallel_loop3A_230, %parallel_loop3A_231], %parallel_loop3A_229 {strides = array<i32>} : memref<100x64xf32, #tpu.memory_space<vmem>>, vector<16xf32>,
          %parallel_loop3A_233 = arith.mulf %parallel_loop3A_228, %parallel_loop3A_210 : vector<16xf32>
          %parallel_loop3A_234 = arith.index_cast %parallel_loop3A_207 : i32 to index
          %parallel_loop3A_235 = arith.constant 48 : index
          %parallel_loop3A_236 = tpu.vector_load %arg22[%parallel_loop3A_234, %parallel_loop3A_235] {strides = array<i32>} : memref<100x64xf32, #tpu.memory_space<vmem>>, vector<16xf32>,
          tpu.vector_store %arg22[%parallel_loop3A_234, %parallel_loop3A_235], %parallel_loop3A_233 {strides = array<i32>} : memref<100x64xf32, #tpu.memory_space<vmem>>, vector<16xf32>,
        } {sc.loop_unroll_factor = 2 : i64, sc.parallel_access}
        %add3A_199 = arith.constant 1 : i32
        %add3A_200 = arith.addi %add3A_138, %add3A_199 : i32
        %dma_start3A_201 = arith.constant 0 : i32
        %dma_start3A_202 = tpu.memref_slice %arg16[%add3A_200, %dma_start3A_201] : memref<40x100xi32, #tpu.memory_space<vmem>> -> memref<1x100xi32, #tpu.memory_space<vmem>>
        %dma_start3A_203 = tpu.memref_squeeze %dma_start3A_202 : memref<1x100xi32, #tpu.memory_space<vmem>> -> memref<100xi32, #tpu.memory_space<vmem>>
        %dma_start3A_204 = arith.constant 0 : i32
        %dma_start3A_205 = arith.constant 0 : i32
        %dma_start3A_206 = tpu.memref_slice %arg11[%dma_start3A_204, %dma_start3A_205] : memref<10000x64xf32, #tpu.memory_space<vmem_shared>> -> memref<10000x64xf32, #tpu.memory_space<vmem_shared>>
        tpu.enqueue_indirect_dma source(%arg22 : memref<100x64xf32, #tpu.memory_space<vmem>>) target(%dma_start3A_206 : memref<10000x64xf32, #tpu.memory_space<vmem_shared>>) offsets(%dma_start3A_203 : memref<100xi32, #tpu.memory_space<vmem>>) semaphore(%arg30 : memref<!tpu.dma_semaphore, #tpu.memory_space<semaphore_mem>>) {add = true}
      }
      %scan3A_108 = arith.constant 19 : i32
      %dma_wait3A_109 = arith.constant 38 : i32
      %dma_wait3A_110 = arith.constant 0 : i32
      %dma_wait3A_111 = tpu.memref_slice %arg16[%dma_wait3A_109, %dma_wait3A_110] : memref<40x100xi32, #tpu.memory_space<vmem>> -> memref<1x100xi32, #tpu.memory_space<vmem>>
      %dma_wait3A_112 = tpu.memref_squeeze %dma_wait3A_111 : memref<1x100xi32, #tpu.memory_space<vmem>> -> memref<100xi32, #tpu.memory_space<vmem>>
      %dma_wait3A_113 = arith.constant 0 : i32
      %dma_wait3A_114 = arith.constant 0 : i32
      %dma_wait3A_115 = tpu.memref_slice %arg11[%dma_wait3A_113, %dma_wait3A_114] : memref<10000x64xf32, #tpu.memory_space<vmem_shared>> -> memref<10000x64xf32, #tpu.memory_space<vmem_shared>>
      tpu.wait_indirect_dma semaphore(%arg29 : memref<!tpu.dma_semaphore, #tpu.memory_space<semaphore_mem>>) src(%arg21 : memref<100x64xf32, #tpu.memory_space<vmem>>) dst(%dma_wait3A_115 : memref<10000x64xf32, #tpu.memory_space<vmem_shared>>)
      %dma_wait3A_116 = arith.constant 39 : i32
      %dma_wait3A_117 = arith.constant 0 : i32
      %dma_wait3A_118 = tpu.memref_slice %arg16[%dma_wait3A_116, %dma_wait3A_117] : memref<40x100xi32, #tpu.memory_space<vmem>> -> memref<1x100xi32, #tpu.memory_space<vmem>>
      %dma_wait3A_119 = tpu.memref_squeeze %dma_wait3A_118 : memref<1x100xi32, #tpu.memory_space<vmem>> -> memref<100xi32, #tpu.memory_space<vmem>>
      %dma_wait3A_120 = arith.constant 0 : i32
      %dma_wait3A_121 = arith.constant 0 : i32
      %dma_wait3A_122 = tpu.memref_slice %arg11[%dma_wait3A_120, %dma_wait3A_121] : memref<10000x64xf32, #tpu.memory_space<vmem_shared>> -> memref<10000x64xf32, #tpu.memory_space<vmem_shared>>
      tpu.wait_indirect_dma semaphore(%arg30 : memref<!tpu.dma_semaphore, #tpu.memory_space<semaphore_mem>>) src(%arg22 : memref<100x64xf32, #tpu.memory_space<vmem>>) dst(%dma_wait3A_122 : memref<10000x64xf32, #tpu.memory_space<vmem_shared>>)
      %dma_wait3A_123 = arith.constant 39 : i32
      %dma_wait3A_124 = arith.constant 0 : i32
      %dma_wait3A_125 = tpu.memref_slice %arg17[%dma_wait3A_123, %dma_wait3A_124] : memref<40x100xi32, #tpu.memory_space<vmem>> -> memref<1x100xi32, #tpu.memory_space<vmem>>
      %dma_wait3A_126 = tpu.memref_squeeze %dma_wait3A_125 : memref<1x100xi32, #tpu.memory_space<vmem>> -> memref<100xi32, #tpu.memory_space<vmem>>
      %dma_wait3A_127 = arith.constant 0 : i32
      %dma_wait3A_128 = arith.constant 0 : i32
      %dma_wait3A_129 = tpu.memref_slice %arg10[%dma_wait3A_127, %dma_wait3A_128] : memref<10000x64xbf16, #tpu.memory_space<vmem_shared>> -> memref<10000x64xbf16, #tpu.memory_space<vmem_shared>>
      tpu.wait_indirect_dma semaphore(%arg27 : memref<!tpu.dma_semaphore, #tpu.memory_space<semaphore_mem>>) src(%dma_wait3A_129 : memref<10000x64xbf16, #tpu.memory_space<vmem_shared>>) dst(%arg19 : memref<100x64xbf16, #tpu.memory_space<vmem>>)
    }
    %scan3A_29 = arith.constant 5 : i32
    %barrier3A_30 = arith.constant 0 : index
    tpu.barrier barrier_id(%barrier3A_30)
    "tpu.trace_stop"() : () -> ()
    %barrier3A_31 = arith.constant 0 : index
    tpu.barrier barrier_id(%barrier3A_31)
    "tpu.trace_start"() <{level = 10 : i32, message = "phase5_writeback"}> : () -> ()
    "tpu.region"() ({
      %run_scoped3A = tpu.sem_alloc : memref<!tpu.dma_semaphore, #tpu.memory_space<semaphore_mem>>
      %dma_start3A = tpu.memref_slice %arg8[%mul3A_4] : memref<128xf32, #tpu.memory_space<hbm>> -> memref<64xf32, #tpu.memory_space<hbm>>
      %dma_start3A_44 = tpu.memref_slice %arg8[%mul3A_4] : memref<128xf32, #tpu.memory_space<hbm>> -> memref<64xf32, #tpu.memory_space<hbm>>
      tpu.enqueue_dma source(%dma_start3A_44 : memref<64xf32, #tpu.memory_space<hbm>>) target(%arg26 : memref<64xf32, #tpu.memory_space<vmem>>) target_semaphore(%run_scoped3A : memref<!tpu.dma_semaphore, #tpu.memory_space<semaphore_mem>>)
      %dma_wait3A = tpu.memref_slice %arg8[%mul3A_4] : memref<128xf32, #tpu.memory_space<hbm>> -> memref<64xf32, #tpu.memory_space<hbm>>
      %dma_wait3A_45 = tpu.memref_slice %arg8[%mul3A_4] : memref<128xf32, #tpu.memory_space<hbm>> -> memref<64xf32, #tpu.memory_space<hbm>>
      tpu.wait_dma2 semaphore(%run_scoped3A : memref<!tpu.dma_semaphore, #tpu.memory_space<semaphore_mem>>) src(%dma_wait3A_45 : memref<64xf32, #tpu.memory_space<hbm>>) dst(%arg26 : memref<64xf32, #tpu.memory_space<vmem>>)
      tpu.yield
    }) : () -> ()
    %get3A = arith.constant 0 : index
    %get3A_32 = tpu.vector_load %arg26[%get3A] {strides = array<i32>} : memref<64xf32, #tpu.memory_space<vmem>>, vector<16xf32>,
    %get3A_33 = arith.constant 16 : index
    %get3A_34 = tpu.vector_load %arg26[%get3A_33] {strides = array<i32>} : memref<64xf32, #tpu.memory_space<vmem>>, vector<16xf32>,
    %get3A_35 = arith.constant 32 : index
    %get3A_36 = tpu.vector_load %arg26[%get3A_35] {strides = array<i32>} : memref<64xf32, #tpu.memory_space<vmem>>, vector<16xf32>,
    %get3A_37 = arith.constant 48 : index
    %get3A_38 = tpu.vector_load %arg26[%get3A_37] {strides = array<i32>} : memref<64xf32, #tpu.memory_space<vmem>>, vector<16xf32>,
    %scan3A_39 = arith.constant 0 : i32
    %scan3A_40 = arith.constant 4 : i32
    %scan3A_41 = arith.addi %scan3A_39, %scan3A_40 : i32
    %scan3A_42 = arith.constant 1 : i32
    scf.for %scan3A_44 = %scan3A_39 to %scan3A_41 step %scan3A_42  : i32 {
      %mul3A_45 = arith.constant 1 : i32
      %mul3A_46 = arith.muli %scan3A_44, %mul3A_45 : i32
      %add3A = arith.constant 0 : i32
      %add3A_47 = arith.addi %add3A, %mul3A_46 : i32
      %mul3A_48 = arith.constant 160 : i32
      %mul3A_49 = arith.muli %add3A_47, %mul3A_48 : i32
      %add3A_50 = arith.addi %mul3A_0, %mul3A_49 : i32
      "tpu.region"() ({
        %run_scoped3A = tpu.sem_alloc : memref<!tpu.dma_semaphore, #tpu.memory_space<semaphore_mem>>
        %dma_start3A = arith.constant 0 : i32
        %dma_start3A_54 = tpu.memref_slice %arg11[%add3A_50, %dma_start3A] : memref<10000x64xf32, #tpu.memory_space<vmem_shared>> -> memref<160x64xf32, #tpu.memory_space<vmem_shared>>
        %dma_start3A_55 = arith.constant 0 : i32
        %dma_start3A_56 = tpu.memref_slice %arg11[%add3A_50, %dma_start3A_55] : memref<10000x64xf32, #tpu.memory_space<vmem_shared>> -> memref<160x64xf32, #tpu.memory_space<vmem_shared>>
        tpu.enqueue_dma source(%dma_start3A_56 : memref<160x64xf32, #tpu.memory_space<vmem_shared>>) target(%arg13 : memref<160x64xf32, #tpu.memory_space<vmem>>) target_semaphore(%run_scoped3A : memref<!tpu.dma_semaphore, #tpu.memory_space<semaphore_mem>>)
        %dma_wait3A = arith.constant 0 : i32
        %dma_wait3A_57 = tpu.memref_slice %arg11[%add3A_50, %dma_wait3A] : memref<10000x64xf32, #tpu.memory_space<vmem_shared>> -> memref<160x64xf32, #tpu.memory_space<vmem_shared>>
        %dma_wait3A_58 = arith.constant 0 : i32
        %dma_wait3A_59 = tpu.memref_slice %arg11[%add3A_50, %dma_wait3A_58] : memref<10000x64xf32, #tpu.memory_space<vmem_shared>> -> memref<160x64xf32, #tpu.memory_space<vmem_shared>>
        tpu.wait_dma2 semaphore(%run_scoped3A : memref<!tpu.dma_semaphore, #tpu.memory_space<semaphore_mem>>) src(%dma_wait3A_59 : memref<160x64xf32, #tpu.memory_space<vmem_shared>>) dst(%arg13 : memref<160x64xf32, #tpu.memory_space<vmem>>)
        tpu.yield
      }) : () -> ()
      %parallel_loop3A_51 = arith.constant 0 : i32
      %parallel_loop3A_52 = arith.constant 160 : i32
      %parallel_loop3A_53 = arith.constant 1 : i32
      scf.for %parallel_loop3A_54 = %parallel_loop3A_51 to %parallel_loop3A_52 step %parallel_loop3A_53  : i32 {
        %parallel_loop3A_55 = arith.constant 160 : i32
        %parallel_loop3A_56 = arith.muli %add3A_47, %parallel_loop3A_55 : i32
        %parallel_loop3A_57 = arith.addi %parallel_loop3A_56, %parallel_loop3A_54 : i32
        %parallel_loop3A_58 = vector.broadcast %parallel_loop3A_57 : i32 to vector<16xi32>
        %parallel_loop3A_59 = tpu.vector_load_idx %arg15[%parallel_loop3A_58] : memref<640xf32, #tpu.memory_space<vmem>>[vector<16xi32>], vector<16xf32>,
        %parallel_loop3A_60 = arith.index_cast %parallel_loop3A_54 : i32 to index
        %parallel_loop3A_61 = arith.constant 0 : index
        %parallel_loop3A_62 = tpu.vector_load %arg13[%parallel_loop3A_60, %parallel_loop3A_61] {strides = array<i32>} : memref<160x64xf32, #tpu.memory_space<vmem>>, vector<16xf32>,
        %parallel_loop3A_63 = arith.mulf %parallel_loop3A_62, %parallel_loop3A_59 : vector<16xf32>
        %parallel_loop3A_64 = arith.addf %parallel_loop3A_63, %get3A_32 : vector<16xf32>
        %parallel_loop3A_65 = arith.index_cast %parallel_loop3A_54 : i32 to index
        %parallel_loop3A_66 = arith.constant 0 : index
        %parallel_loop3A_67 = tpu.vector_load %arg13[%parallel_loop3A_65, %parallel_loop3A_66] {strides = array<i32>} : memref<160x64xf32, #tpu.memory_space<vmem>>, vector<16xf32>,
        tpu.vector_store %arg13[%parallel_loop3A_65, %parallel_loop3A_66], %parallel_loop3A_64 {strides = array<i32>} : memref<160x64xf32, #tpu.memory_space<vmem>>, vector<16xf32>,
        %parallel_loop3A_68 = arith.index_cast %parallel_loop3A_54 : i32 to index
        %parallel_loop3A_69 = arith.constant 16 : index
        %parallel_loop3A_70 = tpu.vector_load %arg13[%parallel_loop3A_68, %parallel_loop3A_69] {strides = array<i32>} : memref<160x64xf32, #tpu.memory_space<vmem>>, vector<16xf32>,
        %parallel_loop3A_71 = arith.mulf %parallel_loop3A_70, %parallel_loop3A_59 : vector<16xf32>
        %parallel_loop3A_72 = arith.addf %parallel_loop3A_71, %get3A_34 : vector<16xf32>
        %parallel_loop3A_73 = arith.index_cast %parallel_loop3A_54 : i32 to index
        %parallel_loop3A_74 = arith.constant 16 : index
        %parallel_loop3A_75 = tpu.vector_load %arg13[%parallel_loop3A_73, %parallel_loop3A_74] {strides = array<i32>} : memref<160x64xf32, #tpu.memory_space<vmem>>, vector<16xf32>,
        tpu.vector_store %arg13[%parallel_loop3A_73, %parallel_loop3A_74], %parallel_loop3A_72 {strides = array<i32>} : memref<160x64xf32, #tpu.memory_space<vmem>>, vector<16xf32>,
        %parallel_loop3A_76 = arith.index_cast %parallel_loop3A_54 : i32 to index
        %parallel_loop3A_77 = arith.constant 32 : index
        %parallel_loop3A_78 = tpu.vector_load %arg13[%parallel_loop3A_76, %parallel_loop3A_77] {strides = array<i32>} : memref<160x64xf32, #tpu.memory_space<vmem>>, vector<16xf32>,
        %parallel_loop3A_79 = arith.mulf %parallel_loop3A_78, %parallel_loop3A_59 : vector<16xf32>
        %parallel_loop3A_80 = arith.addf %parallel_loop3A_79, %get3A_36 : vector<16xf32>
        %parallel_loop3A_81 = arith.index_cast %parallel_loop3A_54 : i32 to index
        %parallel_loop3A_82 = arith.constant 32 : index
        %parallel_loop3A_83 = tpu.vector_load %arg13[%parallel_loop3A_81, %parallel_loop3A_82] {strides = array<i32>} : memref<160x64xf32, #tpu.memory_space<vmem>>, vector<16xf32>,
        tpu.vector_store %arg13[%parallel_loop3A_81, %parallel_loop3A_82], %parallel_loop3A_80 {strides = array<i32>} : memref<160x64xf32, #tpu.memory_space<vmem>>, vector<16xf32>,
        %parallel_loop3A_84 = arith.index_cast %parallel_loop3A_54 : i32 to index
        %parallel_loop3A_85 = arith.constant 48 : index
        %parallel_loop3A_86 = tpu.vector_load %arg13[%parallel_loop3A_84, %parallel_loop3A_85] {strides = array<i32>} : memref<160x64xf32, #tpu.memory_space<vmem>>, vector<16xf32>,
        %parallel_loop3A_87 = arith.mulf %parallel_loop3A_86, %parallel_loop3A_59 : vector<16xf32>
        %parallel_loop3A_88 = arith.addf %parallel_loop3A_87, %get3A_38 : vector<16xf32>
        %parallel_loop3A_89 = arith.index_cast %parallel_loop3A_54 : i32 to index
        %parallel_loop3A_90 = arith.constant 48 : index
        %parallel_loop3A_91 = tpu.vector_load %arg13[%parallel_loop3A_89, %parallel_loop3A_90] {strides = array<i32>} : memref<160x64xf32, #tpu.memory_space<vmem>>, vector<16xf32>,
        tpu.vector_store %arg13[%parallel_loop3A_89, %parallel_loop3A_90], %parallel_loop3A_88 {strides = array<i32>} : memref<160x64xf32, #tpu.memory_space<vmem>>, vector<16xf32>,
      } {sc.loop_unroll_factor = 2 : i64, sc.parallel_access}
      "tpu.region"() ({
        %run_scoped3A = tpu.sem_alloc : memref<!tpu.dma_semaphore, #tpu.memory_space<semaphore_mem>>
        %dma_start3A = tpu.memref_slice %arg9[%add3A_50, %mul3A_4] : memref<10000x128xf32, #tpu.memory_space<hbm>> -> memref<160x64xf32, #tpu.memory_space<hbm>>
        %dma_start3A_54 = tpu.memref_slice %arg9[%add3A_50, %mul3A_4] : memref<10000x128xf32, #tpu.memory_space<hbm>> -> memref<160x64xf32, #tpu.memory_space<hbm>>
        tpu.enqueue_dma source(%arg13 : memref<160x64xf32, #tpu.memory_space<vmem>>) target(%dma_start3A_54 : memref<160x64xf32, #tpu.memory_space<hbm>>) target_semaphore(%run_scoped3A : memref<!tpu.dma_semaphore, #tpu.memory_space<semaphore_mem>>)
        %dma_wait3A = tpu.memref_slice %arg9[%add3A_50, %mul3A_4] : memref<10000x128xf32, #tpu.memory_space<hbm>> -> memref<160x64xf32, #tpu.memory_space<hbm>>
        %dma_wait3A_55 = tpu.memref_slice %arg9[%add3A_50, %mul3A_4] : memref<10000x128xf32, #tpu.memory_space<hbm>> -> memref<160x64xf32, #tpu.memory_space<hbm>>
        tpu.wait_dma2 semaphore(%run_scoped3A : memref<!tpu.dma_semaphore, #tpu.memory_space<semaphore_mem>>) src(%arg13 : memref<160x64xf32, #tpu.memory_space<vmem>>) dst(%dma_wait3A_55 : memref<160x64xf32, #tpu.memory_space<hbm>>)
        tpu.yield
      }) : () -> ()
    }
    %scan3A_43 = arith.constant 4 : i32
    "tpu.trace_stop"() : () -> ()
    return
  }
}

module attributes {stable_mosaic.version = 14 : i64} {
  func.func @_matmul_body(%arg0: i32, %arg1: memref<2000x128xf32, #tpu.memory_space<vmem>>, %arg2: memref<128x128xf32, #tpu.memory_space<vmem>>, %arg3: memref<2000x128xf32, #tpu.memory_space<vmem>>) attributes {dimension_semantics = [#tpu.dimension_semantics<arbitrary>], iteration_bounds = array<i64: 5>, scalar_prefetch = 0 : i64, scratch_operands = 0 : i64, tpu.core_type = #tpu.core_type<tc>, window_params = [{transform_indices = @transform_0, window_bounds = array<i64: 2000, 128>}, {pipeline_mode = #tpu.pipeline_mode<synchronous>, transform_indices = @transform_1, window_bounds = array<i64: 128, 128>}, {transform_indices = @transform_2, window_bounds = array<i64: 2000, 128>}]} {
    %get3A = arith.constant 0 : index
    %get3A_0 = arith.constant 0 : index
    %get3A_1 = vector.load %arg1[%get3A, %get3A_0] : memref<2000x128xf32, #tpu.memory_space<vmem>>, vector<2000x128xf32>
    %get3A_2 = arith.constant 0 : index
    %get3A_3 = arith.constant 0 : index
    %get3A_4 = vector.load %arg2[%get3A_2, %get3A_3] : memref<128x128xf32, #tpu.memory_space<vmem>>, vector<128x128xf32>
    %dot_general3A = arith.constant dense<0.000000e+00> : vector<2000x128xf32>
    %dot_general3A_5 = tpu.matmul %get3A_1, %get3A_4, %dot_general3A {dimension_numbers = #tpu.dot_dimension_numbers<[1], [0], [0], [1], [0, 0, 1, 1], [], []>, transpose_lhs_hint = false} : vector<2000x128xf32>, vector<128x128xf32>, vector<2000x128xf32> -> vector<2000x128xf32>
    %swap3A = arith.constant 0 : index
    %swap3A_6 = arith.constant 0 : index
    %swap3A_7 = vector.load %arg3[%swap3A, %swap3A_6] : memref<2000x128xf32, #tpu.memory_space<vmem>>, vector<2000x128xf32>
    tpu.vector_store %arg3[%swap3A, %swap3A_6], %dot_general3A_5 {strides = array<i32>} : memref<2000x128xf32, #tpu.memory_space<vmem>>, vector<2000x128xf32>,
    return
  }
  func.func @transform_0(%arg0: i32) -> (i32, i32) {
    %c0_i32 = arith.constant 0 : i32
    %c0_i32_0 = arith.constant 0 : i32
    return %arg0, %c0_i32 : i32, i32
  }
  func.func @transform_1(%arg0: i32) -> (i32, i32) {
    %c0_i32 = arith.constant 0 : i32
    %c0_i32_0 = arith.constant 0 : i32
    %c0_i32_1 = arith.constant 0 : i32
    return %c0_i32, %c0_i32_0 : i32, i32
  }
  func.func @transform_2(%arg0: i32) -> (i32, i32) {
    %c0_i32 = arith.constant 0 : i32
    %c0_i32_0 = arith.constant 0 : i32
    return %arg0, %c0_i32 : i32, i32
  }
}

</mosaic_0001>

<sc_bundles>
// kernel: kernel.5.cloned.1.call-start
scs
__scs_entry_jumppad:
0x0: {  	(pc) =	sbr.rel $0x88, $3  }
0x1: {  	(tag) =	ssettag $0x0;
	lr =	simm.s32 $0x1  }
0x2: {  	[smem:$0x3F9C] =	sst lr;
	_ =	strace $0xD0000000  }
0x3: {  	_ = 	snop  }
0x4: {  	_ = 	snop  }
0x5: {  	_ = 	snop  }
0x6: {  	_ = 	snop  }
0x7: {  	_ = 	snop  }
__scs_overlays_trampoline_lowered:
0x8: {  	[smem:$0x3FAB] =	sst s0  }
0x9: {  	[smem:$0x3FAC] =	sst s1  }
0xa: {  	[smem:$0x3FAD] =	sst s2  }
0xb: {  	[smem:$0x3FAE] =	sst s3  }
0xc: {  	[smem:$0x3FAF] =	sst s4  }
0xd: {  	[smem:$0x3FB0] =	sst s5  }
0xe: {  	[smem:$0x3FB1] =	sst s6  }
0xf: {  	[smem:$0x3FB2] =	sst s7  }
0x10: {  	[smem:$0x3FB3] =	sst s8  }
0x11: {  	[smem:$0x3FB4] =	sst s9;
	s0 =	simm.s32 @!p0 $0x0  }
0x12: {  	s1 =	sld [smem:$0x3F9A];
	s0 =	simm.s32 @p0 $0x1  }
0x13: {  	[smem:$0x3FB5] =	sst s0;
	s0 =	simm.s32 @!p1 $0x0  }
0x14: {  	s2 =	sld [smem:$0x3F99];
	s0 =	simm.s32 @p1 $0x1  }
0x15: {  	[smem:$0x3FB6] =	sst s0;
	s0 =	simm.s32 @!p2 $0x0  }
0x16: {  	s3 =	sld [smem:$0x3FDB];
	s0 =	simm.s32 @p2 $0x1  }
0x17: {  	s4 =	simm.s32 $0x1BF5;
	[smem:$0x3FB8] =	sst s0  }
0x18: {  	s0 =	sld [smem:$0x3F9B];
	_ =	swait.ge [sflag:s4], $0x0  }
0x19: {  	s7 =	sld [smem:$0x3F9C]  }
0x1a: {  	s8 =	sadd.s32 $0xFFFFE003, lr  }
0x1b: {  	s9 =	sadd.s32 $0xFFFFFEF7, lr;
	s5 =	simm.s32 $0xFFFFFFFF;
	p2 =	slt.u32 s8, $0xFFFFF086  }
0x1c: {  	p1 =	slt.u32 s9, $0xF7A;
	s5 =	simm.s32 @!p2 $0x0  }
0x1d: {  	s5 =	simm.s32 @p1 $0x1;
	p0 =	seq.s32 s7, s2  }
0x1e: {  	s7 =	smul.u32 @!p0 $0xF7A, s2;
	p2 =	seq.s32 @!p0 s5, $0x0  }
0x1f: {  	s9 =	smul.u32 $0xF7A, s1;
	s8 =	simm.s32 @!p0 $0x1BF5;
	p2 =	por !p2, p0  }
0x20: {  	[sflag:s8] =	ssyncset.s32 @!p0 $0xFFFFF086;
	s6 =	sadd.s32 @!p0 s3, s7;
	s7 =	simm.s32 @!p0 $0x108  }
0x21: {  	s3 =	sadd.s32 s3, s9;
	s6 =	sadd.s32 @!p0 $0x88, s6;
	s7 =	simm.s32 @p2 $0x1082  }
0x22: {  	[simem:s7], [sflag:s8] =	dma.local @!p0 [hbm:s6], $0xF7A  }
0x23: {  	s9 =	sor.u32 $0xD0000000, s2;
	s6 =	simm.s32 $0x108;
	_ =	swait.ge @!p0 [sflag:s8], $0x0  }
0x24: {  	s3 =	sadd.s32 $0x88, s3;
	s6 =	simm.s32 @!p1 $0x1082;
	[sflag:s4] =	ssyncset.s32 $0xFFFFF086  }
0x25: {  	[simem:s6], [sflag:s4] =	dma.local [hbm:s3], $0xF7A  }
0x26: {  	[smem:$0x3F9C] =	sst s1;
	(tag) =	ssettag s2;
	_ =	strace s9  }
0x27: {  	s1 =	sld [smem:$0x3FAC]  }
0x28: {  	s2 =	sld [smem:$0x3FAD]  }
0x29: {  	s4 =	sld [smem:$0x3FAF]  }
0x2a: {  	p0 =	seq.s32 s5, $0x0;
	s5 =	sld [smem:$0x3FB0]  }
0x2b: {  	s6 =	sld [smem:$0x3FB1]  }
0x2c: {  	s7 =	sld [smem:$0x3FB2]  }
0x2d: {  	s3 =	simm.s32 $0x108;
	s8 =	sld [smem:$0x3FB3]  }
0x2e: {  	s3 =	simm.s32 @!p0 $0x1082;
	s9 =	sld [smem:$0x3FB4]  }
0x2f: {  	lr =	sadd.s32 s0, s3;
	s0 =	sld [smem:$0x3FAB]  }
0x30: {  	s3 =	sld [smem:$0x3FAE]  }
0x31: {  	[smem:$0x3FB7] =	sst s10  }
0x32: {  	s10 =	sld [smem:$0x3FB5];
	_ =	sdelay $0x3  }
0x33: {  	p0 =	seq.s32 s10, $0x1;
	s10 =	sld [smem:$0x3FB7];
	_ =	sdelay $0x3  }
0x34: {  	[smem:$0x3FB7] =	sst s10  }
0x35: {  	s10 =	sld [smem:$0x3FB6];
	_ =	sdelay $0x3  }
0x36: {  	p1 =	seq.s32 s10, $0x1;
	s10 =	sld [smem:$0x3FB7];
	_ =	sdelay $0x3  }
0x37: {  	[smem:$0x3FB7] =	sst s10  }
0x38: {  	s10 =	sld [smem:$0x3FB8]  }
0x39: {  	_ = 	snop;
	(pc) =	sbr.ind lr, $3  }
0x3a: {  	_ = 	snop  }
0x3b: {  	_ = 	snop  }
0x3c: {  	p2 =	seq.s32 s10, $0x1;
	s10 =	sld [smem:$0x3FB7]  }
0x3d: {  	_ =	shalt  }
0x3e: {  	_ =	shalt  }
0x3f: {  	_ =	shalt  }
0x40: {  	_ =	shalt  }
0x41: {  	_ =	shalt  }
0x42: {  	_ =	shalt  }
0x43: {  	_ =	shalt  }
0x44: {  	_ =	shalt  }
0x45: {  	_ =	shalt  }
0x46: {  	_ =	shalt  }
0x47: {  	_ =	shalt  }
0x48: {  	_ =	shalt  }
0x49: {  	_ =	shalt  }
0x4a: {  	_ =	shalt  }
0x4b: {  	_ =	shalt  }
0x4c: {  	_ =	shalt  }
0x4d: {  	_ =	shalt  }
0x4e: {  	_ =	shalt  }
0x4f: {  	_ =	shalt  }
0x50: {  	_ =	shalt  }
0x51: {  	_ =	shalt  }
0x52: {  	_ =	shalt  }
0x53: {  	_ =	shalt  }
0x54: {  	_ =	shalt  }
0x55: {  	_ =	shalt  }
0x56: {  	_ =	shalt  }
0x57: {  	_ =	shalt  }
0x58: {  	_ =	shalt  }
0x59: {  	_ =	shalt  }
0x5a: {  	_ =	shalt  }
0x5b: {  	_ =	shalt  }
0x5c: {  	_ =	shalt  }
0x5d: {  	_ =	shalt  }
0x5e: {  	_ =	shalt  }
0x5f: {  	_ =	shalt  }
0x60: {  	_ =	shalt  }
0x61: {  	_ =	shalt  }
0x62: {  	_ =	shalt  }
0x63: {  	_ =	shalt  }
0x64: {  	_ =	shalt  }
0x65: {  	_ =	shalt  }
0x66: {  	_ =	shalt  }
0x67: {  	_ =	shalt  }
0x68: {  	_ =	shalt  }
0x69: {  	_ =	shalt  }
0x6a: {  	_ =	shalt  }
0x6b: {  	_ =	shalt  }
0x6c: {  	_ =	shalt  }
0x6d: {  	_ =	shalt  }
0x6e: {  	_ =	shalt  }
0x6f: {  	_ =	shalt  }
0x70: {  	_ =	shalt  }
0x71: {  	_ =	shalt  }
0x72: {  	_ =	shalt  }
0x73: {  	_ =	shalt  }
0x74: {  	_ =	shalt  }
0x75: {  	_ =	shalt  }
0x76: {  	_ =	shalt  }
0x77: {  	_ =	shalt  }
0x78: {  	_ =	shalt  }
0x79: {  	_ =	shalt  }
0x7a: {  	_ =	shalt  }
0x7b: {  	_ =	shalt  }
0x7c: {  	_ =	shalt  }
0x7d: {  	_ =	shalt  }
0x7e: {  	_ =	shalt  }
0x7f: {  	_ =	shalt  }
0x80: {  	_ =	shalt  }
0x81: {  	_ =	shalt  }
0x82: {  	_ =	shalt  }
0x83: {  	_ =	shalt  }
0x84: {  	_ =	shalt  }
0x85: {  	_ =	shalt  }
0x86: {  	_ =	shalt  }
0x87: {  	_ =	shalt  }
.Lfunc_end0:
.L_simem_size_0:
called_computation_lowered:
.L_overlay_start_0:
0x88: {  	s2 =	sld [smem:$0x3FD9]  }
0x89: {  	s3 =	sld [smem:$0x3FFE];
	_ =	sdelay $0x1  }
0x8a: {  	s1 =	srdreg.scid  }
0x8b: {  	s0 =	sand.u32 $0x1, s1  }
0x8c: {  	s17 =	sshll.u32 s0, $0xA;
	s2 =	sadd.s32 s3, s2  }
0x8d: {  	s2 =	sadd.s32 s2, s17  }
0x8e: {  	[smem:$0x3FC3] =	sst s2  }
0x8f: {  	_ = 	snop  }
0x90: {  	s2 =	sld [smem:$0x3FC7]  }
0x91: {  	s18 =	sld [smem:$0x3FC5]  }
0x92: {  	s4 =	sld [smem:$0x3FD0];
	(tm) =	ssettm $0x1  }
0x93: {  	s5 =	sld [smem:$0x3FFB];
	_ =	sdelay $0x3  }
0x94: {  	_ =	strace s5  }
0x95: {  	s5 =	sld [smem:$0x3FFC];
	_ =	sdelay $0x3  }
0x96: {  	_ =	strace s5  }
0x97: {  	s5 =	sld [smem:$0x3FFD];
	_ =	sdelay $0x3  }
0x98: {  	_ =	strace s5  }
0x99: {  	_ =	strace $0x8FFFFFFF  }
0x9a: {  	s19 =	sld [smem:$0x3FDB];
	_ =	sdelay $0x1  }
0x9b: {  	s6 =	simm.s32 $_scs_section_size  }
0x9c: {  	s7 =	simm.s32 $_size__tile_overlayer_lowered;
	s8 =	simm.s32 $_tile_overlayer_lowered  }
0x9d: {  	s22 =	simm.s32 $0x1BFF;
	s21 =	sshll.u32 s8, $0x1;
	s5 =	sadd.s32 s6, s19  }
0x9e: {  	s9 =	simm.s32 $0x0;
	s20 =	sshll.u32 s7, $0x1;
	s7 =	sadd.s32 s21, s5  }
0x9f: {  	[timem:s9], [sflag:s22] =	dma.local [hbm:s7], s20  }
0xa0: {  	_ =	swait.ge [sflag:s22], s20  }
0xa1: {  	s6 =	ssub.s32 $0x0, s20;
	[sflag:s22] =	ssyncset.done $0x0  }
0xa2: {  	[sflag:s22] =	ssyncadd.s32 s6;
	_ =	sdelay $0x1  }
0xa3: {  	s23 =	simm.s32 $0x1B8B  }
0xa4: {  	_ =	swait.ge [sflag:s23], $0x1  }
0xa5: {  	[sflag:s23] =	ssyncset.done $0x0  }
0xa6: {  	s25 =	simm.s32 $0x1B8E;
	s24 =	sld [smem:$0x3FFE];
	[sflag:s23] =	ssyncadd.s32 $0xFFFFFFFF  }
0xa7: {  	s26 =	simm.s32 $execute0_lowered;
	[smem:$0x3FD2] =	sst s25  }
0xa8: {  	s7 =	sshll.u32 s26, $0x1;
	_ =	strace $0x80000046;
	[dreg:$0x1] =	wrdreg $0xFFFFFFFF  }
0xa9: {  	s28 =	simm.s32 $_size_execute0_lowered;
	s5 =	sadd.s32 s5, s7;
	[dreg:$0x0] =	wrdreg $0x0  }
0xaa: {  	s7 =	sshll.u32 s28, $0x1;
	[dreg:$0x2] =	wrdreg s5  }
0xab: {  	[dreg:$0x3] =	wrdreg s7  }
0xac: {  	[dreg:$0x4] =	wrdreg $0xC0  }
0xad: {  	_ =	task [dreg:s9], $0x5FFFF  }
0xae: {  	[dreg:$0x1] =	wrdreg $0xFFFFFFFF  }
0xaf: {  	[dreg:$0x0] =	wrdreg $0x60  }
0xb0: {  	[dreg:$0x2] =	wrdreg s24  }
0xb1: {  	[dreg:$0x3] =	wrdreg s2  }
0xb2: {  	[dreg:$0x4] =	wrdreg s18  }
0xb3: {  	[dreg:$0x5] =	wrdreg s4  }
0xb4: {  	[dreg:$0x6] =	wrdreg $0xEA600  }
0xb5: {  	[dreg:$0x7] =	wrdreg $0x0  }
0xb6: {  	[dreg:$0x8] =	wrdreg $0x4E200  }
0xb7: {  	[dreg:$0x9] =	wrdreg $0x9  }
0xb8: {  	_ =	task.clear_ibuf [dreg:s9], $0xAFFFF;
	_ =	strace $0x90000046  }
0xb9: {  	s29 =	simm.s32 $0x9;
	_ =	strace $0x8000004D  }
0xba: {  	_ =	swait.ge [sflag:s29], $0x1  }
0xbb: {  	[sflag:s29] =	ssyncadd.s32 $0xFFFFFFFF  }
0xbc: {  	_ =	strace $0x9000004D  }
0xbd: {  	_ =	sfence  }
0xbe: {  	s30 =	sld [smem:$0x0];
	_ =	sdelay $0x2  }
0xbf: {  	s31 =	sshll.u32 s1, $0xD;
	s1 =	sshrl.u32 s1, $0x2  }
0xc0: {  	s3 =	sand.u32 $0x4000, s31;
	s1 =	sadd.s32 s1, s30  }
0xc1: {  	s0 =	sor.u32 s3, s0;
	s1 =	sshll.u32 s1, $0x11  }
0xc2: {  	s0 =	sor.u32 s1, s0  }
0xc3: {  	s0 =	sadd.s32 $0x8F2B, s0  }
0xc4: {  	[sflag:s0] =	ssyncadd.remote.s32 $0x1  }
0xc5: {  	_ =	sfence.sel $0xFFFF  }
0xc6: {  	[dreg:$0x0] =	wrdreg $0xFFFFFFFF;
	(pc) =	sbr.abs _section_cstart, $3  }
0xc7: {  	[dreg:$0x1] =	wrdreg $0xFFFFFFFF  }
0xc8: {  	_ =	task.clear_ibuf [dreg:s9], $0x2FFFF;
	_ =	strace $0x9FFFFFFF  }
0xc9: {  	(tm) =	ssettm $0x7FFFFFFF  }
tec
execute0_lowered:
.L_overlay_start_1:
0x0: {  	(tag) =	ssettag $0x1  }
0x1: {  	s0 =	rddreg [dreg:$0x0]  }
0x2: {  	s1 =	rddreg [dreg:$0x1]  }
0x3: {  	s2 =	rddreg [dreg:$0x2]  }
0x4: {  	s9 =	rddreg [dreg:$0x4]  }
0x5: {  	s3 =	rddreg [dreg:$0x5]  }
0x6: {  	s4 =	rddreg [dreg:$0x6]  }
0x7: {  	s5 =	simm.s32 $0x0;
	s8 =	srdreg.scid;
	s29 =	simm.s32 $0x5  }
0x8: {  	s30 =	simm.s32 $0x3;
	s31 =	simm.s32 $0x4;
	[smem:$0x7FF] =	sst s5  }
0x9: {  	s15 =	sadd.s32 $0x29600, s0;
	s6 =	sadd.s32 $0x1F200, s0;
	s5 =	sand.u32 $0x1, s8  }
0xa: {  	s10 =	sadd.s32 $0x14E00, s0;
	_ =	strace $0x80000047;
	[dreg:$0x9] =	wrdreg s6  }
0xb: {  	s7 =	sadd.s32 $0xC00, s0;
	s0 =	sadd.s32 $0xB000, s0;
	[dreg:$0xa] =	wrdreg s10  }
0xc: {  	s10 =	stileid.u32;
	s11 =	ssub.s32 $0x2, s5;
	[dreg:$0xb] =	wrdreg s7  }
0xd: {  	s13 =	sshll.u32 s5, $0x3;
	[dreg:$0x8] =	wrdreg s15;
	s8 =	smul.u32 $0x4E20, s10  }
0xe: {  	s12 =	sshrl.u32 s11, $0x1;
	s2 =	sadd.s32 s2, s13;
	s25 =	smul.u32 $0xC8, s10  }
0xf: {  	s13 =	simm.s32 $0x11758;
	s6 =	ssub.s32 s11, s12;
	s11 =	smul.u32 $0x270, s10  }
0x10: {  	[dreg:$0xc] =	wrdreg s2;
	s12 =	simm.s32 $0xECD8;
	s14 =	sshrl.u32 s8, $0x3  }
0x11: {  	[dreg:$0x17] =	wrdreg s25;
	s26 =	smax.u32 s6, $0x1;
	s25 =	simm.s32 $0x16398  }
0x12: {  	s16 =	sadd.s32 s0, s14;
	s17 =	sadd.s32 s1, s14;
	[dreg:$0x18] =	wrdreg s26  }
0x13: {  	s18 =	sadd.s32 $0x1F4, s14;
	s20 =	sadd.s32 $0x3E8, s14;
	[dreg:$0xd] =	wrdreg s16  }
0x14: {  	s22 =	sadd.s32 $0x5DC, s14;
	s28 =	sadd.s32 s11, s9;
	[dreg:$0xe] =	wrdreg s17  }
0x15: {  	s2 =	sadd.s32 $0x7D0, s14;
	s19 =	sadd.s32 s0, s18;
	[dreg:$0x19] =	wrdreg s28  }
0x16: {  	s26 =	simm.s32 $0x2;
	s7 =	sadd.s32 s1, s18;
	[dreg:$0xf] =	wrdreg s19  }
0x17: {  	s21 =	sadd.s32 s0, s20;
	s23 =	sadd.s32 s0, s22;
	[dreg:$0x10] =	wrdreg s7  }
0x18: {  	s0 =	sadd.s32 s0, s2;
	s24 =	sadd.s32 s1, s2;
	[dreg:$0x11] =	wrdreg s21  }
0x19: {  	s16 =	simm.s32 $0x40;
	s17 =	simm.s32 $0x13A58;
	[dreg:$0x13] =	wrdreg s23  }
0x1a: {  	s18 =	simm.s32 $0x64;
	s7 =	sadd.s32 s1, s20;
	[dreg:$0x15] =	wrdreg s0  }
0x1b: {  	[dreg:$0x16] =	wrdreg s24;
	s24 =	sshll.u32 s5, $0x6;
	s21 =	simm.s32 $0x80  }
0x1c: {  	s23 =	simm.s32 $0x119D8;
	s19 =	simm.s32 $0x14A98;
	s20 =	simm.s32 $0x1  }
0x1d: {  	s5 =	simm.s32 $0x17C98;
	[dreg:$0x12] =	wrdreg s7;
	s7 =	sadd.s32 s1, s22  }
0x1e: {  	v0 =	vimm.f32 $1.000000000e+00;
	s22 =	simm.s32 $0x15718;
	s1 =	simm.s32 $0x0;
	[dreg:$0x14] =	wrdreg s7  }
.LBB2_1:
0x1f: {  	[tilespmem:$0x114D8] =	vst v0  }
0x20: {  	[tilespmem:$0x114E8] =	vst v0  }
0x21: {  	[tilespmem:$0x114F8] =	vst v0  }
0x22: {  	[tilespmem:$0x11508] =	vst v0  }
0x23: {  	[tilespmem:$0x11518] =	vst v0  }
0x24: {  	[tilespmem:$0x11528] =	vst v0  }
0x25: {  	[tilespmem:$0x11538] =	vst v0  }
0x26: {  	[tilespmem:$0x11548] =	vst v0  }
0x27: {  	[tilespmem:$0x11558] =	vst v0  }
0x28: {  	[tilespmem:$0x11568] =	vst v0  }
0x29: {  	[tilespmem:$0x11578] =	vst v0  }
0x2a: {  	[tilespmem:$0x11588] =	vst v0  }
0x2b: {  	[tilespmem:$0x11598] =	vst v0  }
0x2c: {  	[tilespmem:$0x115A8] =	vst v0  }
0x2d: {  	[tilespmem:$0x115B8] =	vst v0  }
0x2e: {  	[tilespmem:$0x115C8] =	vst v0  }
0x2f: {  	[tilespmem:$0x115D8] =	vst v0  }
0x30: {  	[tilespmem:$0x115E8] =	vst v0  }
0x31: {  	[tilespmem:$0x115F8] =	vst v0  }
0x32: {  	[tilespmem:$0x11608] =	vst v0  }
0x33: {  	[tilespmem:$0x11618] =	vst v0  }
0x34: {  	[tilespmem:$0x11628] =	vst v0  }
0x35: {  	[tilespmem:$0x11638] =	vst v0  }
0x36: {  	[tilespmem:$0x11648] =	vst v0  }
0x37: {  	[tilespmem:$0x11658] =	vst v0  }
0x38: {  	[tilespmem:$0x11668] =	vst v0  }
0x39: {  	[tilespmem:$0x11678] =	vst v0  }
0x3a: {  	[tilespmem:$0x11688] =	vst v0  }
0x3b: {  	[tilespmem:$0x11698] =	vst v0  }
0x3c: {  	[tilespmem:$0x116A8] =	vst v0  }
0x3d: {  	[tilespmem:$0x116B8] =	vst v0  }
0x3e: {  	[tilespmem:$0x116C8] =	vst v0  }
0x3f: {  	[tilespmem:$0x116D8] =	vst v0  }
0x40: {  	[tilespmem:$0x116E8] =	vst v0  }
0x41: {  	[tilespmem:$0x116F8] =	vst v0  }
0x42: {  	[tilespmem:$0x11708] =	vst v0  }
0x43: {  	[tilespmem:$0x11718] =	vst v0  }
0x44: {  	[tilespmem:$0x11728] =	vst v0  }
0x45: {  	[dreg:$0x1a] =	wrdreg s1;
	[tilespmem:$0x11738] =	vst v0  }
0x46: {  	[tilespmem:$0x11748] =	vst v0;
	s6 =	rddreg [dreg:$0x19];
	s7 =	simm.s32 $0x114D8  }
0x47: {  	[spmem:s6] =	stream.linear.scatter [tilespmem:s7], [sflag:$0x5], $0x280, $0x38;
	[tilespmem:$0x1C918] =	vst v63  }
0x48: {  	_ =	swait.ge [sflag:s29], $0x280  }
0x49: {  	[sflag:s29] =	ssyncset.done $0x0  }
0x4a: {  	[sflag:s29] =	ssyncadd.s32 $0xFFFFFD80  }
0x4b: {  	[bflag:$0x0] =	sbarrier.arrive $0xFFFF  }
0x4c: {  	_ =	strace $0x80000048  }
0x4d: {  	s1 =	simm.s32 $0x0;
	s8 =	simm.s32 $0x1A998;
	s0 =	rddreg [dreg:$0xd]  }
0x4e: {  	[tilespmem:s8], [sflag:$0x5] =	stream.linear.gather [hbm4b:s0+s1], $0xFA0, $0x200038;
	[tilespmem:$0x1C918] =	vst v63  }
0x4f: {  	_ =	swait.ge [sflag:s29], $0xFA0  }
0x50: {  	[sflag:s29] =	ssyncset.done $0x0  }
0x51: {  	s9 =	simm.s32 $0x1B938;
	s14 =	rddreg [dreg:$0xe];
	[sflag:s29] =	ssyncadd.s32 $0xFFFFF060  }
0x52: {  	[tilespmem:s9], [sflag:$0x5] =	stream.linear.gather [hbm4b:s14+s1], $0xFA0, $0x200038;
	[tilespmem:$0x1C918] =	vst v63  }
0x53: {  	_ =	swait.ge [sflag:s29], $0xFA0  }
0x54: {  	[sflag:s29] =	ssyncset.done $0x0  }
0x55: {  	[sflag:s29] =	ssyncadd.s32 $0xFFFFF060  }
0x56: {  	s10 =	simm.s32 $0xFA0;
	s0 =	rddreg [dreg:$0x4]  }
0x57: {  	[spmem:s0] =	stream.indirect.scatter.add.f32 [tilespmem:s9], [sflag:$0x5], $0x1, s8, s10, $0x2000b8;
	[tilespmem:$0x1C918] =	vst v63  }
0x58: {  	_ =	swait.ge [sflag:s29], $0xFA0  }
0x59: {  	[sflag:s29] =	ssyncset.done $0x0  }
0x5a: {  	s2 =	rddreg [dreg:$0xf];
	[sflag:s29] =	ssyncadd.s32 $0xFFFFF060  }
0x5b: {  	[tilespmem:s8], [sflag:$0x5] =	stream.linear.gather [hbm4b:s2+s1], $0xFA0, $0x200038;
	[tilespmem:$0x1C918] =	vst v63  }
0x5c: {  	_ =	swait.ge [sflag:s29], $0xFA0  }
0x5d: {  	[sflag:s29] =	ssyncset.done $0x0  }
0x5e: {  	s28 =	rddreg [dreg:$0x10];
	[sflag:s29] =	ssyncadd.s32 $0xFFFFF060  }
0x5f: {  	[tilespmem:s9], [sflag:$0x5] =	stream.linear.gather [hbm4b:s28+s1], $0xFA0, $0x200038;
	[tilespmem:$0x1C918] =	vst v63  }
0x60: {  	_ =	swait.ge [sflag:s29], $0xFA0  }
0x61: {  	[sflag:s29] =	ssyncset.done $0x0  }
0x62: {  	[sflag:s29] =	ssyncadd.s32 $0xFFFFF060  }
0x63: {  	[spmem:s0] =	stream.indirect.scatter.add.f32 [tilespmem:s9], [sflag:$0x5], $0x1, s8, s10, $0x2000b8;
	[tilespmem:$0x1C918] =	vst v63  }
0x64: {  	_ =	swait.ge [sflag:s29], $0xFA0  }
0x65: {  	[sflag:s29] =	ssyncset.done $0x0  }
0x66: {  	s14 =	rddreg [dreg:$0x11];
	[sflag:s29] =	ssyncadd.s32 $0xFFFFF060  }
0x67: {  	[tilespmem:s8], [sflag:$0x5] =	stream.linear.gather [hbm4b:s14+s1], $0xFA0, $0x200038;
	[tilespmem:$0x1C918] =	vst v63  }
0x68: {  	_ =	swait.ge [sflag:s29], $0xFA0  }
0x69: {  	[sflag:s29] =	ssyncset.done $0x0  }
0x6a: {  	s28 =	rddreg [dreg:$0x12];
	[sflag:s29] =	ssyncadd.s32 $0xFFFFF060  }
0x6b: {  	[tilespmem:s9], [sflag:$0x5] =	stream.linear.gather [hbm4b:s28+s1], $0xFA0, $0x200038;
	[tilespmem:$0x1C918] =	vst v63  }
0x6c: {  	_ =	swait.ge [sflag:s29], $0xFA0  }
0x6d: {  	[sflag:s29] =	ssyncset.done $0x0  }
0x6e: {  	[sflag:s29] =	ssyncadd.s32 $0xFFFFF060  }
0x6f: {  	[spmem:s0] =	stream.indirect.scatter.add.f32 [tilespmem:s9], [sflag:$0x5], $0x1, s8, s10, $0x2000b8;
	[tilespmem:$0x1C918] =	vst v63  }
0x70: {  	_ =	swait.ge [sflag:s29], $0xFA0  }
0x71: {  	[sflag:s29] =	ssyncset.done $0x0  }
0x72: {  	s14 =	rddreg [dreg:$0x13];
	[sflag:s29] =	ssyncadd.s32 $0xFFFFF060  }
0x73: {  	[tilespmem:s8], [sflag:$0x5] =	stream.linear.gather [hbm4b:s14+s1], $0xFA0, $0x200038;
	[tilespmem:$0x1C918] =	vst v63  }
0x74: {  	_ =	swait.ge [sflag:s29], $0xFA0  }
0x75: {  	[sflag:s29] =	ssyncset.done $0x0  }
0x76: {  	s28 =	rddreg [dreg:$0x14];
	[sflag:s29] =	ssyncadd.s32 $0xFFFFF060  }
0x77: {  	[tilespmem:s9], [sflag:$0x5] =	stream.linear.gather [hbm4b:s28+s1], $0xFA0, $0x200038;
	[tilespmem:$0x1C918] =	vst v63  }
0x78: {  	_ =	swait.ge [sflag:s29], $0xFA0  }
0x79: {  	[sflag:s29] =	ssyncset.done $0x0  }
0x7a: {  	[sflag:s29] =	ssyncadd.s32 $0xFFFFF060  }
0x7b: {  	[spmem:s0] =	stream.indirect.scatter.add.f32 [tilespmem:s9], [sflag:$0x5], $0x1, s8, s10, $0x2000b8;
	[tilespmem:$0x1C918] =	vst v63  }
0x7c: {  	_ =	swait.ge [sflag:s29], $0xFA0  }
0x7d: {  	[sflag:s29] =	ssyncset.done $0x0  }
0x7e: {  	s14 =	rddreg [dreg:$0x15];
	[sflag:s29] =	ssyncadd.s32 $0xFFFFF060  }
0x7f: {  	[tilespmem:s8], [sflag:$0x5] =	stream.linear.gather [hbm4b:s14+s1], $0xFA0, $0x200038;
	[tilespmem:$0x1C918] =	vst v63  }
0x80: {  	_ =	swait.ge [sflag:s29], $0xFA0  }
0x81: {  	[sflag:s29] =	ssyncset.done $0x0  }
0x82: {  	s28 =	rddreg [dreg:$0x16];
	[sflag:s29] =	ssyncadd.s32 $0xFFFFF060  }
0x83: {  	[tilespmem:s9], [sflag:$0x5] =	stream.linear.gather [hbm4b:s28+s1], $0xFA0, $0x200038;
	[tilespmem:$0x1C918] =	vst v63  }
0x84: {  	_ =	swait.ge [sflag:s29], $0xFA0  }
0x85: {  	[sflag:s29] =	ssyncset.done $0x0  }
0x86: {  	[sflag:s29] =	ssyncadd.s32 $0xFFFFF060  }
0x87: {  	[spmem:s0] =	stream.indirect.scatter.add.f32 [tilespmem:s9], [sflag:$0x5], $0x1, s8, s10, $0x2000b8;
	[tilespmem:$0x1C918] =	vst v63  }
0x88: {  	_ =	swait.ge [sflag:s29], $0xFA0  }
0x89: {  	[sflag:s29] =	ssyncset.done $0x0  }
0x8a: {  	[sflag:s29] =	ssyncadd.s32 $0xFFFFF060  }
0x8b: {  	_ =	strace $0x90000048  }
0x8c: {  	[bflag:$0x0] =	sbarrier.arrive $0xFFFF  }
0x8d: {  	_ =	strace $0x80000049  }
0x8e: {  	[tilespmem:s7], [sflag:$0x5] =	stream.linear.gather [spmem:s6], $0x280, $0x200038;
	[tilespmem:$0x1C918] =	vst v63  }
0x8f: {  	_ =	swait.ge [sflag:s29], $0x280  }
0x90: {  	[sflag:s29] =	ssyncset.done $0x0  }
0x91: {  	s9 =	simm.s32 $0x114E8;
	[sflag:s29] =	ssyncadd.s32 $0xFFFFFD80  }
0x92: {  	v1 =	vld [tilespmem:s9+$0x0];
	_ =	sdelay $0x4  }
0x93: {  	v2 =	vshra.s32 v1, $0x1;
	v3 =	vmul.f32 $5.000000000e-01, v1  }
0x94: {  	v1 =	vsub.s32 $0x5F3759DF, v2  }
0x95: {  	v2 =	vmul.f32 v1, v3  }
0x96: {  	s10 =	simm.s32 $0x11508;
	v4 =	vld [tilespmem:s9+$0xFFFFFFF0]  }
0x97: {  	v5 =	vld [tilespmem:s10+$0x0];
	v2 =	vmul.f32 v1, v2;
	_ =	sdelay $0x1  }
0x98: {  	v2 =	vsub.f32 $1.500000000e+00, v2;
	_ =	sdelay $0x1  }
0x99: {  	v6 =	vshra.s32 v4, $0x1;
	v7 =	vmul.f32 $5.000000000e-01, v4;
	v2 =	vmul.f32 v1, v2  }
0x9a: {  	v8 =	vshra.s32 v5, $0x1;
	v5 =	vmul.f32 $5.000000000e-01, v5;
	v6 =	vsub.s32 $0x5F3759DF, v6  }
0x9b: {  	v8 =	vsub.s32 $0x5F3759DF, v8;
	v9 =	vmul.f32 v6, v7;
	v4 =	vmul.f32 v2, v3  }
0x9c: {  	v10 =	vmul.f32 v8, v5  }
0x9d: {  	v9 =	vmul.f32 v6, v9;
	v1 =	vld [tilespmem:s10+$0xFFFFFFF0];
	v4 =	vmul.f32 v4, v2  }
0x9e: {  	v10 =	vmul.f32 v8, v10  }
0x9f: {  	v9 =	vsub.f32 $1.500000000e+00, v9;
	v4 =	vsub.f32 $1.500000000e+00, v4  }
0xa0: {  	s14 =	simm.s32 $0x11528;
	v10 =	vsub.f32 $1.500000000e+00, v10  }
0xa1: {  	v6 =	vmul.f32 v6, v9;
	v2 =	vmul.f32 v4, v2;
	v4 =	vld [tilespmem:s14+$0x0]  }
0xa2: {  	v8 =	vmul.f32 v8, v10;
	v11 =	vshra.s32 v1, $0x1;
	v1 =	vmul.f32 $5.000000000e-01, v1  }
0xa3: {  	v10 =	vmul.f32 v6, v7;
	v11 =	vsub.s32 $0x5F3759DF, v11;
	v3 =	vmul.f32 v2, v3  }
0xa4: {  	v12 =	vld [tilespmem:s14+$0xFFFFFFF0];
	v14 =	vmul.f32 v8, v5;
	v9 =	vmul.f32 v11, v1  }
0xa5: {  	v10 =	vmul.f32 v10, v6;
	v13 =	vmul.f32 v3, v2  }
0xa6: {  	v9 =	vmul.f32 v11, v9;
	v15 =	vshra.s32 v4, $0x1;
	v3 =	vmul.f32 $5.000000000e-01, v4  }
0xa7: {  	v14 =	vmul.f32 v14, v8;
	v4 =	vsub.f32 $1.500000000e+00, v13;
	v13 =	vsub.s32 $0x5F3759DF, v15  }
0xa8: {  	v10 =	vsub.f32 $1.500000000e+00, v10;
	v9 =	vsub.f32 $1.500000000e+00, v9;
	v15 =	vmul.f32 v13, v3  }
0xa9: {  	v14 =	vsub.f32 $1.500000000e+00, v14;
	v16 =	vmul.f32 v4, v2;
	v2 =	vmul.f32 $5.000000000e-01, v12  }
0xaa: {  	v4 =	vshra.s32 v12, $0x1;
	v12 =	vmul.f32 v11, v9;
	v9 =	vmul.f32 v13, v15  }
0xab: {  	s28 =	simm.s32 $0x11548;
	v15 =	vsub.s32 $0x5F3759DF, v4;
	v4 =	vmul.f32 v10, v6;
	v6 =	vmul.f32 v14, v8  }
0xac: {  	v10 =	vld [tilespmem:s28+$0x0];
	v8 =	vmul.f32 v15, v2;
	v11 =	vmul.f32 v12, v1;
	v9 =	vsub.f32 $1.500000000e+00, v9  }
0xad: {  	v7 =	vmul.f32 v4, v7;
	v5 =	vmul.f32 v6, v5  }
0xae: {  	v14 =	vld [tilespmem:s28+$0xFFFFFFF0];
	v8 =	vmul.f32 v15, v8;
	v17 =	vmul.f32 v13, v9  }
0xaf: {  	v9 =	vmul.f32 v11, v12;
	v11 =	vmul.f32 v5, v6  }
0xb0: {  	v18 =	vmul.f32 v7, v4;
	v8 =	vsub.f32 $1.500000000e+00, v8;
	v7 =	vmul.f32 v17, v3  }
0xb1: {  	v13 =	vshra.s32 v10, $0x1;
	v5 =	vmul.f32 $5.000000000e-01, v10;
	v10 =	vsub.f32 $1.500000000e+00, v11  }
0xb2: {  	v19 =	vsub.f32 $1.500000000e+00, v9;
	v11 =	vsub.s32 $0x5F3759DF, v13;
	v7 =	vmul.f32 v7, v17  }
0xb3: {  	v9 =	vshra.s32 v14, $0x1;
	v13 =	vmul.f32 v11, v5;
	v20 =	vmul.f32 v10, v6  }
0xb4: {  	s1 =	simm.s32 $0x11768;
	v10 =	vmul.f32 $5.000000000e-01, v14;
	v6 =	vmul.f32 v15, v8;
	v8 =	vsub.f32 $1.500000000e+00, v7  }
0xb5: {  	s0 =	simm.s32 $0x11788;
	[tilespmem:s1+$0x0] =	vst v16;
	v9 =	vsub.s32 $0x5F3759DF, v9;
	v13 =	vmul.f32 v11, v13;
	v7 =	vmul.f32 v19, v12  }
0xb6: {  	s2 =	simm.s32 $0x6;
	s6 =	simm.s32 $0x11568;
	[tilespmem:s0+$0x0] =	vst v20;
	v12 =	vsub.f32 $1.500000000e+00, v18;
	v14 =	vmul.f32 v9, v10;
	v8 =	vmul.f32 v8, v17  }
.LBB2_2:
0xb7: {  	v15 =	vld [tilespmem:s6+$0x0];
	s2 =	sadd.s32 $0x2, s2;
	v13 =	vsub.f32 $1.500000000e+00, v13;
	v16 =	vmul.f32 v6, v2;
	v17 =	vmul.f32 v7, v1;
	v1 =	vmovc v2;
	v2 =	vmovc v10  }
0xb8: {  	v10 =	vld [tilespmem:s6+$0xFFFFFFF0];
	p0 =	slt.u32 s2, $0x26;
	v14 =	vmul.f32 v9, v14;
	v18 =	vmul.f32 v8, v3;
	v3 =	vmov v5  }
0xb9: {  	v19 =	vmul.f32 v11, v13;
	v5 =	vmul.f32 v16, v6  }
0xba: {  	v13 =	vsub.f32 $1.500000000e+00, v14;
	v11 =	vmul.f32 v18, v8;
	v14 =	vmul.f32 v17, v7  }
0xbb: {  	v12 =	vmul.f32 v12, v4;
	v4 =	vmovc v7;
	v16 =	vmul.f32 v19, v3;
	v17 =	vsub.f32 $1.500000000e+00, v5  }
0xbc: {  	v7 =	vshra.s32 v15, $0x1;
	v5 =	vmul.f32 $5.000000000e-01, v15;
	v15 =	vsub.f32 $1.500000000e+00, v11  }
.Ltmp0:
0xbd: {  	v18 =	vshra.s32 v10, $0x1;
	v11 =	vsub.s32 $0x5F3759DF, v7;
	v7 =	vmul.f32 v16, v19;
	[tilespmem:s1+$0xFFFFFFF0] =	vst v12;
	s1 =	smov.u32 s0;
	(pc) =	sbr.rel @p0 .LBB2_2-.Ltmp0, $4  }
0xbe: {  	v12 =	vsub.s32 $0x5F3759DF, v18;
	v16 =	vmul.f32 v11, v5;
	v8 =	vmul.f32 v15, v8  }
0xbf: {  	v10 =	vmul.f32 $5.000000000e-01, v10;
	s0 =	sadd.s32 $0x20, s0;
	v15 =	vmul.f32 v9, v13;
	v18 =	vsub.f32 $1.500000000e+00, v7;
	v9 =	vmovc v12  }
0xc0: {  	v7 =	vmul.f32 v17, v6;
	v12 =	vsub.f32 $1.500000000e+00, v14;
	v13 =	vmul.f32 v11, v16;
	[tilespmem:s0+$0x0] =	vst v8  }
0xc1: {  	s6 =	sadd.s32 $0x20, s6;
	v14 =	vmul.f32 v9, v10;
	v6 =	vmov v15;
	v8 =	vmul.f32 v18, v19  }
0xc2: {  	_ = 	snop  }
0xc3: {  	v14 =	vmul.f32 v9, v14  }
0xc4: {  	v13 =	vsub.f32 $1.500000000e+00, v13  }
0xc5: {  	v54 =	vsub.f32 $1.500000000e+00, v14  }
0xc6: {  	v11 =	vmul.f32 v11, v13  }
0xc7: {  	v57 =	vmul.f32 v6, v2;
	v56 =	vmul.f32 v9, v54  }
0xc8: {  	v55 =	vmul.f32 v11, v5  }
0xc9: {  	v13 =	vmul.f32 v57, v6;
	v15 =	vmul.f32 v56, v10  }
0xca: {  	v14 =	vmul.f32 v55, v11  }
0xcb: {  	v13 =	vsub.f32 $1.500000000e+00, v13;
	v15 =	vmul.f32 v15, v56  }
0xcc: {  	v1 =	vmul.f32 v7, v1;
	v14 =	vsub.f32 $1.500000000e+00, v14  }
0xcd: {  	v3 =	vmul.f32 v8, v3;
	v59 =	vmul.f32 v13, v6;
	v58 =	vsub.f32 $1.500000000e+00, v15  }
0xce: {  	v1 =	vmul.f32 v1, v7;
	v11 =	vmul.f32 v14, v11  }
0xcf: {  	v2 =	vmul.f32 v59, v2;
	v9 =	vmul.f32 v58, v56  }
0xd0: {  	v3 =	vmul.f32 v3, v8;
	v60 =	vmul.f32 v11, v5  }
0xd1: {  	v1 =	vsub.f32 $1.500000000e+00, v1;
	v2 =	vmul.f32 v2, v59;
	v61 =	vmul.f32 v9, v10  }
0xd2: {  	v4 =	vmul.f32 v12, v4;
	v3 =	vsub.f32 $1.500000000e+00, v3;
	v5 =	vmul.f32 v60, v11  }
0xd3: {  	v1 =	vmul.f32 v1, v7;
	v2 =	vsub.f32 $1.500000000e+00, v2;
	v62 =	vmul.f32 v61, v9  }
0xd4: {  	[tilespmem:s1+$0xFFFFFFF0] =	vst v4;
	v3 =	vmul.f32 v3, v8;
	v5 =	vsub.f32 $1.500000000e+00, v5  }
0xd5: {  	s14 =	sadd.s32 $0x20, s0;
	[tilespmem:s0+$0xFFFFFFF0] =	vst v1;
	v1 =	vmul.f32 v2, v59;
	v63 =	vsub.f32 $1.500000000e+00, v62  }
0xd6: {  	[tilespmem:s14+$0x0] =	vst v3;
	v3 =	vmul.f32 v5, v11  }
0xd7: {  	s28 =	sadd.s32 $0x20, s14;
	[tilespmem:s14+$0xFFFFFFF0] =	vst v1;
	v2 =	vmul.f32 v63, v9  }
0xd8: {  	[tilespmem:s28+$0x0] =	vst v3  }
0xd9: {  	[tilespmem:s28+$0xFFFFFFF0] =	vst v2  }
0xda: {  	_ =	strace $0x90000049  }
0xdb: {  	s1 =	simm.s32 $0x0;
	s0 =	simm.s32 $0x0;
	_ =	strace $0x8000004A  }
.LBB2_4:
0xdc: {  	s2 =	smul.u32 $0xA0, s1;
	_ =	sdelay $0x1  }
0xdd: {  	s6 =	sadd.s32 $0xFFFFFFFE, s0;
	s2 =	sadd.s32 s11, s2  }
0xde: {  	s8 =	sadd.s32 $0x2, s6;
	s7 =	sshll.u32 s2, $0x7  }
0xdf: {  	v1 =	vmov s8;
	s7 =	sor.u32 s24, s7  }
0xe0: {  	s6 =	sadd.s32 $0x3, s6;
	v1 =	vand.u32 $0xFFFFFFFE, v1;
	s7 =	sshrl.u32 s7, $0x3  }
0xe1: {  	v2 =	vmov s6;
	v1 =	vbroadcast v1, $0x0;
	s7 =	sadd.s32 s15, s7  }
0xe2: {  	[tilespmem:s12], [sflag:$0x5] =	stream.strided.gather [hbm4b:s7+s16], $0x2800, s21, s16, $0x200038;
	[tilespmem:$0x1C918] =	vst v63  }
0xe3: {  	_ =	swait.ge [sflag:s29], $0x2800  }
0xe4: {  	[sflag:s29] =	ssyncset.done $0x0  }
0xe5: {  	[sflag:s29] =	ssyncadd.s32 $0xFFFFD800  }
0xe6: {  	v4 =	vld.idx.msk [tilespmem:v2+s13+$0x0], $0xffff  }
0xe7: {  	s6 =	simm.s32 $0xED18;
	v1 =	vld.idx.msk [tilespmem:v1+s13+$0x0], $0xffff  }
0xe8: {  	v2 =	vld [tilespmem:s6+$0xFFFFFFC0]  }
0xe9: {  	s14 =	sadd.s32 $0x0, s0;
	v3 =	vld [tilespmem:s6+$0xFFFFFFD0]  }
0xea: {  	s28 =	sadd.s32 $0x2, s14;
	v5 =	vld [tilespmem:s6+$0xFFFFFFE0]  }
0xeb: {  	v6 =	vmov s28;
	s7 =	sadd.s32 $0x3, s14;
	v7 =	vld [tilespmem:s6+$0xFFFFFFF0]  }
0xec: {  	v6 =	vand.u32 $0xFFFFFFFE, v6;
	v8 =	vmov s7;
	v9 =	vld [tilespmem:s6+$0x0]  }
0xed: {  	v10 =	vbroadcast v6, $0x0;
	v6 =	vld [tilespmem:s6+$0x10];
	v2 =	vmul.f32 v2, v1  }
0xee: {  	v11 =	vld [tilespmem:s6+$0x20];
	v3 =	vmul.f32 v3, v1  }
0xef: {  	v13 =	vld [tilespmem:s6+$0x30];
	v12 =	vmul.f32 v5, v1;
	[tilespmem:s6+$0xFFFFFFC0] =	vst v2  }
0xf0: {  	v7 =	vmul.f32 v7, v1;
	[tilespmem:s6+$0xFFFFFFD0] =	vst v3  }
0xf1: {  	v1 =	vld.idx.msk [tilespmem:v8+s13+$0x0], $0xffff;
	[tilespmem:s6+$0xFFFFFFE0] =	vst v12  }
0xf2: {  	s8 =	simm.s32 $0x195B8;
	v5 =	vmul.f32 v9, v4;
	v6 =	vmul.f32 v6, v4;
	[tilespmem:s6+$0xFFFFFFF0] =	vst v7;
	v7 =	vpack.i.f32.bf16 v7, v12  }
0xf3: {  	s7 =	simm.s32 $0xED98;
	v8 =	vpack.i.f32.bf16 v3, v2;
	v2 =	vld.idx.msk [tilespmem:v10+s13+$0x0], $0xffff;
	[tilespmem:s8+$0xFFFFFFF0] =	vst v7  }
0xf4: {  	s9 =	simm.s32 $0x2;
	v3 =	vld [tilespmem:s7+$0xFFFFFFC0];
	v7 =	vmul.f32 v11, v4;
	[tilespmem:s8+$0xFFFFFFE0] =	vst v8;
	v8 =	vmul.f32 v13, v4;
	v4 =	vpack.i.f32.bf16 v6, v5  }
.LBB2_5:
0xf5: {  	s10 =	sadd.s32 s9, s0;
	v9 =	vld [tilespmem:s7+$0xFFFFFFD0];
	[tilespmem:s6+$0x0] =	vst v5  }
0xf6: {  	v10 =	vmov v1;
	s14 =	sadd.s32 $0x2, s10;
	s10 =	sadd.s32 $0x3, s10;
	v5 =	vld [tilespmem:s7+$0xFFFFFFE0];
	[tilespmem:s6+$0x10] =	vst v6;
	v6 =	vpack.i.f32.bf16 v8, v7  }
0xf7: {  	v1 =	vmov s14;
	v11 =	vmov s10;
	v12 =	vld [tilespmem:s7+$0xFFFFFFF0];
	[tilespmem:s6+$0x20] =	vst v7  }
0xf8: {  	s9 =	sadd.s32 $0x2, s9;
	v1 =	vand.u32 $0xFFFFFFFE, v1;
	v7 =	vld [tilespmem:s7+$0x0];
	[tilespmem:s6+$0x30] =	vst v8;
	s6 =	smov.u32 s7  }
0xf9: {  	p0 =	slt.u32 s9, $0x9E;
	v8 =	vbroadcast v1, $0x0;
	v3 =	vmul.f32 v3, v2;
	v13 =	vld [tilespmem:s7+$0x10];
	[tilespmem:s8+$0x0] =	vst v4  }
0xfa: {  	v4 =	vmul.f32 v9, v2;
	v9 =	vld [tilespmem:s7+$0x20];
	[tilespmem:s8+$0x10] =	vst v6  }
0xfb: {  	[tilespmem:s7+$0xFFFFFFC0] =	vst v3;
	v6 =	vmul.f32 v5, v2;
	v14 =	vld [tilespmem:s7+$0x30]  }
.Ltmp1:
0xfc: {  	v1 =	vld.idx.msk [tilespmem:v11+s13+$0x0], $0xffff;
	[tilespmem:s7+$0xFFFFFFD0] =	vst v4;
	v2 =	vmul.f32 v12, v2;
	v4 =	vpack.i.f32.bf16 v4, v3;
	(pc) =	sbr.rel @p0 .LBB2_5-.Ltmp1, $4  }
0xfd: {  	[tilespmem:s7+$0xFFFFFFE0] =	vst v6;
	v5 =	vmul.f32 v7, v10  }
0xfe: {  	s8 =	sadd.s32 $0x40, s8;
	[tilespmem:s7+$0xFFFFFFF0] =	vst v2;
	v3 =	vpack.i.f32.bf16 v2, v6;
	v6 =	vmul.f32 v13, v10  }
0xff: {  	s7 =	sadd.s32 $0x80, s7;
	v2 =	vld.idx.msk [tilespmem:v8+s13+$0x0], $0xffff;
	[tilespmem:s8+$0xFFFFFFF0] =	vst v3;
	v7 =	vmul.f32 v9, v10  }
0x100: {  	v3 =	vld [tilespmem:s7+$0xFFFFFFC0];
	[tilespmem:s8+$0xFFFFFFE0] =	vst v4;
	v8 =	vmul.f32 v14, v10;
	v4 =	vpack.i.f32.bf16 v6, v5  }
0x101: {  	v9 =	vld [tilespmem:s7+$0xFFFFFFD0];
	[tilespmem:s6+$0x0] =	vst v5  }
0x102: {  	v56 =	vld [tilespmem:s7+$0xFFFFFFE0];
	[tilespmem:s6+$0x10] =	vst v6  }
0x103: {  	v57 =	vld [tilespmem:s7+$0xFFFFFFF0];
	[tilespmem:s6+$0x20] =	vst v7  }
0x104: {  	v59 =	vld [tilespmem:s7+$0x0];
	[tilespmem:s6+$0x30] =	vst v8  }
0x105: {  	v58 =	vpack.i.f32.bf16 v8, v7;
	[tilespmem:s8+$0x0] =	vst v4;
	v3 =	vmul.f32 v3, v2  }
0x106: {  	[tilespmem:s8+$0x10] =	vst v58;
	v60 =	vmul.f32 v9, v2  }
0x107: {  	v61 =	vld [tilespmem:s7+$0x10];
	v5 =	vmul.f32 v56, v2;
	[tilespmem:s7+$0xFFFFFFC0] =	vst v3  }
0x108: {  	v62 =	vld [tilespmem:s7+$0x20];
	v2 =	vmul.f32 v57, v2;
	[tilespmem:s7+$0xFFFFFFD0] =	vst v60  }
0x109: {  	v63 =	vld [tilespmem:s7+$0x30];
	v4 =	vmul.f32 v59, v1;
	[tilespmem:s7+$0xFFFFFFE0] =	vst v5  }
0x10a: {  	[tilespmem:s7+$0xFFFFFFF0] =	vst v2  }
0x10b: {  	s9 =	sadd.s32 $0x40, s8;
	v2 =	vpack.i.f32.bf16 v2, v5;
	[tilespmem:s7+$0x0] =	vst v4  }
0x10c: {  	v3 =	vpack.i.f32.bf16 v60, v3;
	[tilespmem:s9+$0xFFFFFFF0] =	vst v2;
	v2 =	vmul.f32 v61, v1  }
0x10d: {  	[tilespmem:s9+$0xFFFFFFE0] =	vst v3;
	v3 =	vmul.f32 v62, v1  }
0x10e: {  	v1 =	vmul.f32 v63, v1;
	[tilespmem:s7+$0x10] =	vst v2  }
0x10f: {  	[tilespmem:s7+$0x20] =	vst v3  }
0x110: {  	s2 =	sshll.u32 s2, $0x6;
	v2 =	vpack.i.f32.bf16 v2, v4;
	[tilespmem:s7+$0x30] =	vst v1  }
0x111: {  	s10 =	sshrl.u32 s2, $0x1;
	v1 =	vpack.i.f32.bf16 v1, v3;
	[tilespmem:s9+$0x0] =	vst v2  }
0x112: {  	s28 =	simm.s32 $0x19598;
	s14 =	sadd.s32 s10, s3;
	[tilespmem:s9+$0x10] =	vst v1  }
0x113: {  	[spmem:s14] =	stream.linear.scatter [tilespmem:s28], [sflag:$0x5], $0x1400, $0x200038;
	[tilespmem:$0x1C918] =	vst v63  }
0x114: {  	s1 =	sadd.s32 $0x1, s1;
	_ =	swait.ge [sflag:s29], $0x1400  }
0x115: {  	p0 =	sne.s32 s1, $0x4;
	[sflag:s29] =	ssyncset.done $0x0  }
.Ltmp2:
0x116: {  	s2 =	sadd.s32 s2, s4;
	[sflag:s29] =	ssyncadd.s32 $0xFFFFEC00;
	(pc) =	sbr.rel @p0 .LBB2_4-.Ltmp2, $4  }
0x117: {  	[spmem:s2] =	stream.linear.scatter [tilespmem:s12], [sflag:$0x5], $0x2800, $0x200038;
	[tilespmem:$0x1C918] =	vst v63  }
0x118: {  	_ =	swait.ge [sflag:s29], $0x2800  }
0x119: {  	[sflag:s29] =	ssyncset.done $0x0  }
0x11a: {  	s0 =	sadd.s32 $0xA0, s0;
	[sflag:s29] =	ssyncadd.s32 $0xFFFFD800  }
0x11b: {  	_ =	strace $0x9000004A  }
0x11c: {  	[bflag:$0x0] =	sbarrier.arrive $0xFFFF  }
0x11d: {  	s1 =	simm.s32 $0x0;
	s14 =	simm.s32 $0x0;
	_ =	strace $0x8000004B  }
.LBB2_8:
0x11e: {  	s0 =	smul.u32 $0x28, s14  }
0x11f: {  	s2 =	rddreg [dreg:$0x17]  }
0x120: {  	s0 =	sadd.s32 s2, s0  }
0x121: {  	s0 =	smul.u32 $0xD, s0  }
0x122: {  	s28 =	rddreg [dreg:$0x9]  }
0x123: {  	s2 =	sadd.s32 s28, s0  }
0x124: {  	[tilespmem:s23], [sflag:$0x5] =	stream.linear.gather [hbm4b:s2+s1], $0x1040, $0x200038;
	[tilespmem:$0x1C918] =	vst v63  }
0x125: {  	_ =	swait.ge [sflag:s29], $0x1040  }
0x126: {  	[sflag:s29] =	ssyncset.done $0x0;
	s6 =	rddreg [dreg:$0xa]  }
0x127: {  	[sflag:s29] =	ssyncadd.s32 $0xFFFFEFC0;
	s2 =	sadd.s32 s6, s0;
	s6 =	simm.s32 $0x12A18  }
0x128: {  	[tilespmem:s6], [sflag:$0x5] =	stream.linear.gather [hbm4b:s2+s1], $0x1040, $0x200038;
	[tilespmem:$0x1C918] =	vst v63  }
0x129: {  	_ =	swait.ge [sflag:s29], $0x1040  }
0x12a: {  	[sflag:s29] =	ssyncset.done $0x0;
	s7 =	rddreg [dreg:$0xb]  }
0x12b: {  	[sflag:s29] =	ssyncadd.s32 $0xFFFFEFC0;
	s0 =	sadd.s32 s7, s0  }
0x12c: {  	[tilespmem:s17], [sflag:$0x5] =	stream.linear.gather [hbm4b:s0+s1], $0x1040, $0x200038;
	[tilespmem:$0x1C918] =	vst v63  }
0x12d: {  	_ =	swait.ge [sflag:s29], $0x1040  }
0x12e: {  	v1 =	vmov s1;
	[sflag:s29] =	ssyncset.done $0x0  }
0x12f: {  	v1 =	vand.u32 $0xFFFFFFFE, v1;
	[sflag:s29] =	ssyncadd.s32 $0xFFFFEFC0  }
0x130: {  	v1 =	vbroadcast v1, $0x0;
	[tilespmem:s19], [sflag:$0x1] =	stream.indirect.gather [spmem:s3], $0x20, s6, s18, $0x2000b8;
	[tilespmem:$0x1C918] =	vst v63  }
0x131: {  	_ =	swait.ge [sflag:s20], $0xC80  }
0x132: {  	s8 =	simm.s32 $0x12A80;
	s9 =	simm.s32 $0x1;
	[sflag:s20] =	ssyncset.done $0x0  }
0x133: {  	s10 =	simm.s32 $0x14AB8;
	s15 =	simm.s32 $0x2;
	[sflag:s20] =	ssyncadd.s32 $0xFFFFF380  }
0x134: {  	v2 =	vmov s9;
	[tilespmem:s22], [sflag:$0x2] =	stream.indirect.gather [spmem:s3], $0x20, s8, s18, $0x2000b8;
	[tilespmem:$0x1C918] =	vst v63  }
0x135: {  	v4 =	vmov s15;
	v3 =	vld [tilespmem:s10+$0xFFFFFFE0]  }
0x136: {  	v5 =	vld.idx.msk [tilespmem:v1+s17+$0x0], $0xffff;
	v1 =	vand.u32 $0xFFFFFFFE, v4  }
0x137: {  	v1 =	vbroadcast v1, $0x0  }
0x138: {  	v7 =	vld [tilespmem:s10+$0x0]  }
0x139: {  	v4 =	vld.idx.msk [tilespmem:v2+s17+$0x0], $0xffff  }
0x13a: {  	v2 =	vunpack.i.l.bf16.f32 v3  }
0x13b: {  	s16 =	simm.s32 $0x3;
	s0 =	simm.s32 $0x14AF8;
	v3 =	vunpack.i.u.bf16.f32 v3;
	v2 =	vmul.f32 v2, v5  }
0x13c: {  	v8 =	vmov s16;
	s7 =	simm.s32 $0x4;
	s6 =	simm.s32 $0x163D8;
	s8 =	simm.s32 $0x5;
	v9 =	vld [tilespmem:s0+$0xFFFFFFE0];
	v3 =	vmul.f32 v3, v5  }
0x13d: {  	v12 =	vmov s7;
	v11 =	vmov s8;
	v10 =	vunpack.i.l.bf16.f32 v7;
	v6 =	vld.idx.msk [tilespmem:v1+s17+$0x0], $0xffff;
	[tilespmem:s6+$0xFFFFFFC0] =	vst v2  }
0x13e: {  	v1 =	vunpack.i.u.bf16.f32 v7;
	v7 =	vand.u32 $0xFFFFFFFE, v12;
	v12 =	vld [tilespmem:s0+$0x0];
	v2 =	vmul.f32 v10, v4;
	[tilespmem:s6+$0xFFFFFFD0] =	vst v3  }
0x13f: {  	v3 =	vmul.f32 v1, v4;
	v13 =	vbroadcast v7, $0x0;
	v14 =	vld [tilespmem:s10+$0xFFFFFFF0]  }
0x140: {  	[tilespmem:s6+$0x0] =	vst v2  }
0x141: {  	s28 =	simm.s32 $0x6;
	v1 =	vld.idx.msk [tilespmem:v8+s17+$0x0], $0xffff;
	[tilespmem:s6+$0x10] =	vst v3  }
0x142: {  	v15 =	vmov s28;
	v3 =	vunpack.i.l.bf16.f32 v9;
	v10 =	vld [tilespmem:s10+$0x10]  }
0x143: {  	s7 =	simm.s32 $0x14B38;
	v2 =	vld.idx.msk [tilespmem:v11+s17+$0x0], $0xffff;
	v9 =	vunpack.i.u.bf16.f32 v9;
	v11 =	vmul.f32 v3, v6;
	v16 =	vunpack.i.u.bf16.f32 v12  }
0x144: {  	s21 =	simm.s32 $0x7;
	s2 =	simm.s32 $0x16458;
	v8 =	vld [tilespmem:s7+$0xFFFFFFE0];
	v17 =	vmul.f32 v9, v6;
	v9 =	vunpack.i.l.bf16.f32 v12;
	v12 =	vunpack.i.u.bf16.f32 v14  }
0x145: {  	v15 =	vand.u32 $0xFFFFFFFE, v15;
	v7 =	vmov s21;
	v3 =	vld.idx.msk [tilespmem:v13+s17+$0x0], $0xffff;
	[tilespmem:s2+$0xFFFFFFC0] =	vst v11;
	v13 =	vmul.f32 v12, v5  }
0x146: {  	s8 =	simm.s32 $0x8;
	v11 =	vmul.f32 v9, v1;
	v9 =	vld [tilespmem:s7+$0x0];
	[tilespmem:s2+$0xFFFFFFD0] =	vst v17;
	v14 =	vunpack.i.l.bf16.f32 v14;
	v12 =	vmul.f32 v16, v1  }
.LBB2_9:
0x147: {  	p0 =	slt.u32 s8, $0x62;
	v15 =	vbroadcast v15, $0x0;
	v16 =	vld [tilespmem:s0+$0xFFFFFFF0];
	[tilespmem:s6+$0xFFFFFFF0] =	vst v13;
	v13 =	vunpack.i.u.bf16.f32 v10;
	v10 =	vunpack.i.l.bf16.f32 v10  }
0x148: {  	[tilespmem:s2+$0x0] =	vst v11;
	v11 =	vmul.f32 v14, v5;
	v14 =	vmul.f32 v10, v4;
	v5 =	vmov v6  }
0x149: {  	s9 =	sadd.s32 $0x1, s8;
	v18 =	vmul.f32 v13, v4;
	v4 =	vmov v1;
	v1 =	vmov v2;
	[tilespmem:s2+$0x10] =	vst v12  }
.Ltmp3:
0x14a: {  	v12 =	vmov s9;
	v13 =	vunpack.i.l.bf16.f32 v8;
	v10 =	vld [tilespmem:s0+$0x10];
	[tilespmem:s6+$0xFFFFFFE0] =	vst v11;
	s0 =	smov.u32 s7;
	(pc) =	sbr.rel @p0 .LBB2_9-.Ltmp3, $4  }
0x14b: {  	v11 =	vunpack.i.u.bf16.f32 v8;
	v13 =	vmul.f32 v13, v3;
	s7 =	sadd.s32 $0x40, s7;
	v2 =	vld.idx.msk [tilespmem:v7+s17+$0x0], $0xffff;
	v17 =	vunpack.i.u.bf16.f32 v9;
	[tilespmem:s6+$0x20] =	vst v14;
	v7 =	vmovc v12  }
0x14c: {  	v6 =	vmovc v3;
	v12 =	vmul.f32 v11, v3;
	v9 =	vunpack.i.l.bf16.f32 v9;
	v8 =	vld [tilespmem:s7+$0xFFFFFFE0];
	v14 =	vunpack.i.u.bf16.f32 v16;
	[tilespmem:s6+$0x30] =	vst v18;
	s6 =	smov.u32 s2;
	s2 =	sadd.s32 $0x80, s2  }
0x14d: {  	v18 =	vmov s8;
	v11 =	vmul.f32 v9, v1;
	v3 =	vld.idx.msk [tilespmem:v15+s17+$0x0], $0xffff;
	[tilespmem:s2+$0xFFFFFFC0] =	vst v13;
	v13 =	vmul.f32 v14, v5  }
0x14e: {  	s8 =	sadd.s32 $0x2, s8;
	v15 =	vand.u32 $0xFFFFFFFE, v18;
	v14 =	vunpack.i.l.bf16.f32 v16;
	v9 =	vld [tilespmem:s7+$0x0];
	[tilespmem:s2+$0xFFFFFFD0] =	vst v12;
	v12 =	vmul.f32 v17, v1  }
0x14f: {  	v15 =	vbroadcast v15, $0x0  }
0x150: {  	v16 =	vld [tilespmem:s0+$0xFFFFFFF0];
	[tilespmem:s6+$0xFFFFFFF0] =	vst v13  }
0x151: {  	v13 =	vunpack.i.l.bf16.f32 v10;
	[tilespmem:s2+$0x0] =	vst v11;
	v5 =	vmul.f32 v14, v5  }
0x152: {  	v10 =	vunpack.i.u.bf16.f32 v10;
	v11 =	vmul.f32 v13, v4;
	[tilespmem:s2+$0x10] =	vst v12  }
0x153: {  	s8 =	sadd.s32 $0x40, s7;
	v4 =	vmul.f32 v10, v4;
	v10 =	vunpack.i.l.bf16.f32 v8;
	[tilespmem:s6+$0xFFFFFFE0] =	vst v5  }
0x154: {  	v5 =	vunpack.i.u.bf16.f32 v8;
	v8 =	vmul.f32 v10, v3;
	[tilespmem:s6+$0x20] =	vst v11;
	v10 =	vld [tilespmem:s8+$0xFFFFFFE0]  }
0x155: {  	s9 =	sadd.s32 $0x80, s2;
	v5 =	vmul.f32 v5, v3;
	[tilespmem:s6+$0x30] =	vst v4;
	v12 =	vunpack.i.l.bf16.f32 v9;
	v11 =	vunpack.i.u.bf16.f32 v16;
	v4 =	vld.idx.msk [tilespmem:v15+s17+$0x0], $0xffff  }
0x156: {  	[tilespmem:s9+$0xFFFFFFC0] =	vst v8;
	v12 =	vmul.f32 v12, v2;
	v8 =	vmul.f32 v11, v6;
	v11 =	vld [tilespmem:s8+$0x0]  }
0x157: {  	v7 =	vld.idx.msk [tilespmem:v7+s17+$0x0], $0xffff;
	v9 =	vunpack.i.u.bf16.f32 v9;
	[tilespmem:s9+$0xFFFFFFD0] =	vst v5  }
0x158: {  	v5 =	vld [tilespmem:s0+$0x10];
	v9 =	vmul.f32 v9, v2;
	v13 =	vunpack.i.l.bf16.f32 v16;
	[tilespmem:s9+$0x0] =	vst v12  }
0x159: {  	v6 =	vmul.f32 v13, v6;
	[tilespmem:s2+$0xFFFFFFF0] =	vst v8;
	v8 =	vunpack.i.l.bf16.f32 v10  }
0x15a: {  	v12 =	vld [tilespmem:s7+$0xFFFFFFF0];
	[tilespmem:s9+$0x10] =	vst v9;
	v9 =	vunpack.i.u.bf16.f32 v10;
	v8 =	vmul.f32 v8, v4  }
0x15b: {  	s6 =	sadd.s32 $0x80, s9;
	[tilespmem:s2+$0xFFFFFFE0] =	vst v6;
	v6 =	vmul.f32 v9, v4;
	v9 =	vunpack.i.l.bf16.f32 v11  }
0x15c: {  	v10 =	vld [tilespmem:s7+$0x10];
	v11 =	vunpack.i.u.bf16.f32 v11;
	[tilespmem:s6+$0xFFFFFFC0] =	vst v8;
	v8 =	vmul.f32 v9, v7  }
0x15d: {  	v9 =	vunpack.i.l.bf16.f32 v5;
	[tilespmem:s6+$0xFFFFFFD0] =	vst v6;
	v6 =	vmul.f32 v11, v7  }
0x15e: {  	v5 =	vunpack.i.u.bf16.f32 v5;
	v9 =	vmul.f32 v9, v1;
	v11 =	vld [tilespmem:s8+$0xFFFFFFF0];
	[tilespmem:s6+$0x0] =	vst v8  }
0x15f: {  	v1 =	vmul.f32 v5, v1;
	v5 =	vunpack.i.u.bf16.f32 v12;
	[tilespmem:s6+$0x10] =	vst v6  }
0x160: {  	v5 =	vmul.f32 v5, v3;
	v6 =	vunpack.i.l.bf16.f32 v12;
	[tilespmem:s2+$0x20] =	vst v9;
	v8 =	vld [tilespmem:s8+$0x10]  }
0x161: {  	[tilespmem:s2+$0x30] =	vst v1;
	v1 =	vunpack.i.l.bf16.f32 v10;
	v3 =	vmul.f32 v6, v3  }
0x162: {  	[tilespmem:s9+$0xFFFFFFF0] =	vst v5;
	v5 =	vunpack.i.u.bf16.f32 v10;
	v1 =	vmul.f32 v1, v2  }
0x163: {  	v2 =	vmul.f32 v5, v2;
	[tilespmem:s9+$0xFFFFFFE0] =	vst v3;
	v3 =	vunpack.i.u.bf16.f32 v11  }
0x164: {  	[tilespmem:s9+$0x20] =	vst v1;
	v1 =	vmul.f32 v3, v4;
	v3 =	vunpack.i.l.bf16.f32 v11  }
0x165: {  	[tilespmem:s9+$0x30] =	vst v2;
	v2 =	vunpack.i.l.bf16.f32 v8;
	v3 =	vmul.f32 v3, v4  }
0x166: {  	[tilespmem:s6+$0xFFFFFFF0] =	vst v1;
	v1 =	vunpack.i.u.bf16.f32 v8;
	v2 =	vmul.f32 v2, v7  }
0x167: {  	v1 =	vmul.f32 v1, v7;
	[tilespmem:s6+$0xFFFFFFE0] =	vst v3  }
0x168: {  	s7 =	simm.s32 $0x1;
	[tilespmem:s6+$0x20] =	vst v2  }
0x169: {  	[tilespmem:s6+$0x30] =	vst v1;
	v1 =	vmov s7  }
0x16a: {  	[spmem:s4] =	stream.indirect.scatter.add.f32 [tilespmem:s25], [sflag:$0x3], $0x40, s23, s18, $0x2000b8;
	v1 =	vand.u32 $0x7F, v1;
	[tilespmem:$0x1C918] =	vst v63  }
0x16b: {  	_ =	swait.ge [sflag:s26], $0xC80;
	v1 =	vadd.s32 $0x68, v1  }
0x16c: {  	s10 =	simm.s32 $0x15738;
	[sflag:s26] =	ssyncset.done $0x0  }
0x16d: {  	s8 =	simm.s32 $0x12AE8;
	s9 =	simm.s32 $0x0;
	[sflag:s26] =	ssyncadd.s32 $0xFFFFF380  }
0x16e: {  	v2 =	vmov s9;
	[tilespmem:s19], [sflag:$0x1] =	stream.indirect.gather [spmem:s3], $0x20, s8, s18, $0x2000b8;
	[tilespmem:$0x1C918] =	vst v63  }
0x16f: {  	v2 =	vand.u32 $0x7E, v2;
	v3 =	vld [tilespmem:s10+$0x0]  }
0x170: {  	s15 =	simm.s32 $0x3;
	v5 =	vld.idx.msk [tilespmem:v1+s17+$0x0], $0xffff;
	v1 =	vadd.s32 $0x68, v2  }
0x171: {  	v2 =	vmov s15  }
0x172: {  	v2 =	vand.u32 $0x7F, v2  }
0x173: {  	v4 =	vadd.s32 $0x68, v2  }
0x174: {  	s16 =	simm.s32 $0x2;
	v6 =	vld [tilespmem:s10+$0xFFFFFFE0];
	v2 =	vunpack.i.l.bf16.f32 v3  }
0x175: {  	s21 =	simm.s32 $0x5;
	v7 =	vmul.f32 v2, v5;
	v2 =	vld.idx.msk [tilespmem:v1+s17+$0x0], $0xffff;
	v1 =	vunpack.i.u.bf16.f32 v3;
	v3 =	vmov s16  }
0x176: {  	v8 =	vmov s21;
	s7 =	simm.s32 $0x15778;
	s8 =	simm.s32 $0x17CD8;
	v1 =	vmul.f32 v1, v5;
	v3 =	vand.u32 $0x7E, v3  }
0x177: {  	v9 =	vld [tilespmem:s7+$0x0];
	[tilespmem:s8+$0x0] =	vst v7;
	v7 =	vand.u32 $0x7F, v8;
	v8 =	vadd.s32 $0x68, v3  }
0x178: {  	v3 =	vld.idx.msk [tilespmem:v4+s17+$0x0], $0xffff;
	v7 =	vadd.s32 $0x68, v7;
	[tilespmem:s8+$0x10] =	vst v1  }
0x179: {  	s2 =	simm.s32 $0x157B8;
	v1 =	vunpack.i.u.bf16.f32 v6;
	v10 =	vld [tilespmem:s10+$0x10]  }
0x17a: {  	v11 =	vld [tilespmem:s2+$0x0];
	v4 =	vunpack.i.l.bf16.f32 v6;
	v1 =	vmul.f32 v1, v2  }
0x17b: {  	s23 =	simm.s32 $0x4;
	v12 =	vld [tilespmem:s7+$0xFFFFFFE0];
	v6 =	vmul.f32 v4, v2  }
0x17c: {  	v13 =	vunpack.i.l.bf16.f32 v9;
	v9 =	vunpack.i.u.bf16.f32 v9;
	v4 =	vld.idx.msk [tilespmem:v8+s17+$0x0], $0xffff;
	[tilespmem:s8+$0xFFFFFFD0] =	vst v1;
	v8 =	vmov s23  }
0x17d: {  	s28 =	simm.s32 $0x7;
	v13 =	vmul.f32 v13, v3;
	[tilespmem:s8+$0xFFFFFFC0] =	vst v6;
	v1 =	vld.idx.msk [tilespmem:v7+s17+$0x0], $0xffff;
	v7 =	vand.u32 $0x7E, v8;
	v8 =	vmul.f32 v9, v3  }
0x17e: {  	s0 =	simm.s32 $0x17D58;
	v15 =	vld [tilespmem:s10+$0xFFFFFFF0];
	v14 =	vadd.s32 $0x68, v7;
	v6 =	vunpack.i.u.bf16.f32 v10;
	v7 =	vmov s28  }
0x17f: {  	s10 =	simm.s32 $0x157F8;
	[tilespmem:s0+$0x0] =	vst v13;
	v9 =	vunpack.i.l.bf16.f32 v10;
	v10 =	vmul.f32 v6, v5;
	v13 =	vand.u32 $0x7F, v7  }
0x180: {  	v6 =	vld [tilespmem:s10+$0x0];
	[tilespmem:s0+$0x10] =	vst v8;
	v8 =	vunpack.i.u.bf16.f32 v12;
	v5 =	vmul.f32 v9, v5;
	v9 =	vadd.s32 $0x68, v13  }
0x181: {  	v12 =	vunpack.i.l.bf16.f32 v12;
	v7 =	vld [tilespmem:s7+$0x10];
	v17 =	vmul.f32 v8, v4;
	[tilespmem:s8+$0x30] =	vst v10  }
0x182: {  	s21 =	simm.s32 $0x6;
	v63 =	vunpack.i.l.bf16.f32 v11;
	v13 =	vunpack.i.u.bf16.f32 v11;
	v10 =	vmul.f32 v12, v4;
	v8 =	vld [tilespmem:s2+$0xFFFFFFE0];
	[tilespmem:s8+$0x20] =	vst v5  }
0x183: {  	s9 =	simm.s32 $0x157F8;
	s6 =	simm.s32 $0x17DD8;
	s15 =	simm.s32 $0x8;
	v12 =	vmul.f32 v63, v1;
	v11 =	vunpack.i.u.bf16.f32 v15;
	v5 =	vld.idx.msk [tilespmem:v14+s17+$0x0], $0xffff;
	[tilespmem:s0+$0xFFFFFFD0] =	vst v17;
	v14 =	vunpack.i.l.bf16.f32 v15  }
.LBB2_11:
0x184: {  	s23 =	sadd.s32 $0x1, s15  }
0x185: {  	v15 =	vmov s21;
	v16 =	vld.idx.msk [tilespmem:v9+s17+$0x0], $0xffff;
	s10 =	sadd.s32 $0x40, s10;
	[tilespmem:s6+$0x0] =	vst v12;
	v12 =	vmul.f32 v13, v1;
	v9 =	vmul.f32 v14, v2;
	s21 =	smov.u32 s15;
	s28 =	sadd.s32 $0x2, s15  }
0x186: {  	p0 =	slt.u32 s15, $0x62;
	v13 =	vmov s23;
	v17 =	vld [tilespmem:s10+$0x0];
	v14 =	vand.u32 $0x7E, v15;
	[tilespmem:s0+$0xFFFFFFC0] =	vst v10;
	v10 =	vmul.f32 v11, v2;
	v2 =	vmovc v4  }
0x187: {  	v4 =	vand.u32 $0x7F, v13;
	v11 =	vadd.s32 $0x68, v14;
	v14 =	vld [tilespmem:s7+$0xFFFFFFF0];
	v13 =	vunpack.i.u.bf16.f32 v7;
	[tilespmem:s8+$0xFFFFFFE0] =	vst v9;
	s7 =	smov.u32 s2;
	s2 =	smov.u32 s9;
	s9 =	smov.u32 s10  }
.Ltmp4:
0x188: {  	v19 =	vunpack.i.l.bf16.f32 v7;
	v9 =	vadd.s32 $0x68, v4;
	[tilespmem:s6+$0x10] =	vst v12;
	v12 =	vmul.f32 v13, v3;
	(pc) =	sbr.rel @p0 .LBB2_11-.Ltmp4, $4  }
0x189: {  	v15 =	vmul.f32 v19, v3;
	v13 =	vunpack.i.u.bf16.f32 v8;
	v8 =	vunpack.i.l.bf16.f32 v8;
	v3 =	vmovc v1;
	v7 =	vld [tilespmem:s7+$0x10];
	[tilespmem:s8+$0xFFFFFFF0] =	vst v10;
	s8 =	smov.u32 s0;
	s0 =	smov.u32 s6  }
0x18a: {  	v19 =	vunpack.i.l.bf16.f32 v6;
	v10 =	vmul.f32 v8, v5;
	v18 =	vmul.f32 v13, v5;
	[tilespmem:s8+$0x30] =	vst v12;
	v4 =	vmovc v5  }
0x18b: {  	v12 =	vmul.f32 v19, v16;
	v1 =	vmov v16;
	v8 =	vld [tilespmem:s2+$0xFFFFFFE0];
	[tilespmem:s8+$0x20] =	vst v15  }
0x18c: {  	s15 =	smov.u32 s28;
	v13 =	vunpack.i.u.bf16.f32 v6;
	s6 =	sadd.s32 $0x80, s6;
	v6 =	vmovc v17;
	v5 =	vld.idx.msk [tilespmem:v11+s17+$0x0], $0xffff;
	[tilespmem:s0+$0xFFFFFFD0] =	vst v18;
	v11 =	vunpack.i.u.bf16.f32 v14;
	v14 =	vunpack.i.l.bf16.f32 v14  }
0x18d: {  	v15 =	vmov s21  }
0x18e: {  	v15 =	vand.u32 $0x7E, v15  }
0x18f: {  	v15 =	vadd.s32 $0x68, v15  }
0x190: {  	[tilespmem:s6+$0x0] =	vst v12;
	v42 =	vmul.f32 v14, v2  }
0x191: {  	v13 =	vmul.f32 v13, v1;
	[tilespmem:s0+$0xFFFFFFC0] =	vst v10  }
0x192: {  	v9 =	vld.idx.msk [tilespmem:v9+s17+$0x0], $0xffff;
	v2 =	vmul.f32 v11, v2;
	v43 =	vunpack.i.u.bf16.f32 v7;
	[tilespmem:s8+$0xFFFFFFE0] =	vst v42  }
0x193: {  	v45 =	vld [tilespmem:s9+$0xFFFFFFE0];
	v44 =	vunpack.i.l.bf16.f32 v7;
	[tilespmem:s6+$0x10] =	vst v13;
	v10 =	vmul.f32 v43, v3  }
0x194: {  	v3 =	vmul.f32 v44, v3;
	[tilespmem:s8+$0xFFFFFFF0] =	vst v2;
	v46 =	vunpack.i.u.bf16.f32 v8;
	v2 =	vld.idx.msk [tilespmem:v15+s17+$0x0], $0xffff  }
0x195: {  	v47 =	vld [tilespmem:s7+$0xFFFFFFF0];
	v48 =	vunpack.i.l.bf16.f32 v8;
	v12 =	vmul.f32 v46, v5;
	[tilespmem:s0+$0x30] =	vst v10  }
0x196: {  	v49 =	vunpack.i.l.bf16.f32 v6;
	v8 =	vmul.f32 v48, v5;
	[tilespmem:s0+$0x20] =	vst v3  }
0x197: {  	v50 =	vunpack.i.u.bf16.f32 v6;
	v3 =	vld [tilespmem:s2+$0x10];
	v10 =	vmul.f32 v49, v9;
	[tilespmem:s6+$0xFFFFFFD0] =	vst v12  }
0x198: {  	s23 =	sadd.s32 $0x80, s6;
	v6 =	vmul.f32 v50, v9;
	v51 =	vunpack.i.u.bf16.f32 v45;
	[tilespmem:s6+$0xFFFFFFC0] =	vst v8  }
0x199: {  	v11 =	vunpack.i.l.bf16.f32 v45;
	[tilespmem:s23+$0x0] =	vst v10;
	v52 =	vld [tilespmem:s2+$0xFFFFFFF0];
	v8 =	vmul.f32 v51, v2  }
0x19a: {  	v53 =	vunpack.i.l.bf16.f32 v47;
	[tilespmem:s23+$0x10] =	vst v6;
	v54 =	vmul.f32 v11, v2  }
0x19b: {  	v7 =	vunpack.i.u.bf16.f32 v47;
	v55 =	vmul.f32 v53, v4;
	v56 =	vld [tilespmem:s9+$0x10];
	[tilespmem:s23+$0xFFFFFFD0] =	vst v8  }
0x19c: {  	v57 =	vmul.f32 v7, v4;
	v58 =	vunpack.i.u.bf16.f32 v3;
	[tilespmem:s23+$0xFFFFFFC0] =	vst v54  }
0x19d: {  	[tilespmem:s0+$0xFFFFFFE0] =	vst v55;
	v3 =	vunpack.i.l.bf16.f32 v3;
	v59 =	vmul.f32 v58, v1;
	v60 =	vld [tilespmem:s9+$0xFFFFFFF0]  }
0x19e: {  	[tilespmem:s0+$0xFFFFFFF0] =	vst v57;
	v1 =	vmul.f32 v3, v1;
	v3 =	vunpack.i.l.bf16.f32 v52  }
0x19f: {  	[tilespmem:s6+$0x30] =	vst v59;
	v61 =	vunpack.i.u.bf16.f32 v52;
	v3 =	vmul.f32 v3, v5  }
0x1a0: {  	[tilespmem:s6+$0x20] =	vst v1;
	v1 =	vmul.f32 v61, v5;
	v62 =	vunpack.i.u.bf16.f32 v56  }
0x1a1: {  	v4 =	vmul.f32 v62, v9;
	[tilespmem:s6+$0xFFFFFFE0] =	vst v3;
	v3 =	vunpack.i.l.bf16.f32 v56  }
0x1a2: {  	[tilespmem:s6+$0xFFFFFFF0] =	vst v1;
	v3 =	vmul.f32 v3, v9;
	v1 =	vunpack.i.l.bf16.f32 v60  }
0x1a3: {  	[tilespmem:s23+$0x30] =	vst v4;
	v63 =	vunpack.i.u.bf16.f32 v60;
	v1 =	vmul.f32 v1, v2  }
0x1a4: {  	[tilespmem:s23+$0x20] =	vst v3;
	v2 =	vmul.f32 v63, v2  }
0x1a5: {  	[tilespmem:s23+$0xFFFFFFE0] =	vst v1  }
0x1a6: {  	s28 =	simm.s32 $0x11A40;
	s21 =	simm.s32 $0x0;
	s2 =	simm.s32 $0x0;
	[tilespmem:s23+$0xFFFFFFF0] =	vst v2  }
0x1a7: {  	[spmem:s4] =	stream.indirect.scatter.add.f32 [tilespmem:s5], [sflag:$0x4], $0x40, s28, s18, $0x2000b8;
	[tilespmem:$0x1C918] =	vst v63  }
.LBB2_13:
0x1a8: {  	s7 =	sshll.u32 s2, $0x1  }
0x1a9: {  	s9 =	sadd.s32 $0x2, s7  }
0x1aa: {  	v1 =	vmov s9  }
0x1ab: {  	v1 =	vmul.u32 $0x68, v1  }
0x1ac: {  	s6 =	simm.s32 $0x1;
	s8 =	sadd.s32 $0x3, s7  }
0x1ad: {  	_ =	swait.ge [sflag:s20], $0xC80;
	v2 =	vmov s6;
	s0 =	smul.u32 $0x68, s8;
	v1 =	vbroadcast v1, $0x0  }
0x1ae: {  	[sflag:s20] =	ssyncset.done $0x0;
	v3 =	vand.u32 $0x78, v2  }
0x1af: {  	v4 =	vmov s21;
	[sflag:s20] =	ssyncadd.s32 $0xFFFFF380;
	v2 =	vand.u32 $0x7, v2;
	s15 =	sadd.s32 $0x12A18, s0;
	v3 =	vadd.s32 v1, v3  }
0x1b0: {  	v5 =	vand.u32 $0x78, v4;
	[tilespmem:s22], [sflag:$0x2] =	stream.indirect.gather [spmem:s3], $0x20, s15, s18, $0x2000b8;
	v2 =	vor.u32 v2, v3;
	[tilespmem:$0x1C918] =	vst v63  }
0x1b1: {  	_ =	swait.ge [sflag:s30], $0x1900;
	v3 =	vand.u32 $0x6, v4;
	v4 =	vadd.s32 v1, v5  }
0x1b2: {  	[sflag:s30] =	ssyncset.done $0x0;
	v3 =	vor.u32 v3, v4  }
0x1b3: {  	s16 =	simm.s32 $0x3;
	s15 =	simm.s32 $0x14AB8;
	[sflag:s30] =	ssyncadd.s32 $0xFFFFE700  }
0x1b4: {  	v5 =	vmov s16;
	v4 =	vld [tilespmem:s15+$0x0]  }
0x1b5: {  	s23 =	simm.s32 $0x2;
	v8 =	vld.idx.msk [tilespmem:v2+s17+$0x0], $0xffff;
	v2 =	vand.u32 $0x78, v5  }
0x1b6: {  	v6 =	vmov s23;
	v7 =	vld [tilespmem:s15+$0xFFFFFFE0];
	v5 =	vand.u32 $0x7, v5;
	v2 =	vadd.s32 v1, v2  }
0x1b7: {  	v9 =	vand.u32 $0x78, v6;
	v12 =	vld.idx.msk [tilespmem:v3+s17+$0x0], $0xffff;
	v2 =	vor.u32 v5, v2  }
0x1b8: {  	v3 =	vand.u32 $0x6, v6;
	v5 =	vadd.s32 v1, v9  }
0x1b9: {  	s10 =	simm.s32 $0x4;
	v5 =	vor.u32 v3, v5;
	v3 =	vunpack.i.l.bf16.f32 v4  }
0x1ba: {  	v6 =	vmov s10;
	s10 =	simm.s32 $0x14AF8;
	v4 =	vunpack.i.u.bf16.f32 v4;
	v3 =	vmul.f32 v3, v8  }
0x1bb: {  	s6 =	simm.s32 $0x163D8;
	v10 =	vunpack.i.l.bf16.f32 v7;
	v11 =	vld [tilespmem:s10+$0x0];
	v4 =	vmul.f32 v4, v8  }
0x1bc: {  	v7 =	vunpack.i.u.bf16.f32 v7;
	v9 =	vand.u32 $0x78, v6;
	v10 =	vmul.f32 v10, v12;
	[tilespmem:s6+$0x0] =	vst v3;
	v3 =	vld.idx.msk [tilespmem:v2+s17+$0x0], $0xffff  }
0x1bd: {  	s23 =	simm.s32 $0x5;
	v6 =	vand.u32 $0x6, v6;
	v7 =	vmul.f32 v7, v12;
	v2 =	vadd.s32 v1, v9;
	[tilespmem:s6+$0x10] =	vst v4;
	v9 =	vld [tilespmem:s10+$0xFFFFFFE0]  }
0x1be: {  	s16 =	simm.s32 $0x6;
	v4 =	vmov s23;
	v6 =	vor.u32 v6, v2;
	[tilespmem:s6+$0xFFFFFFC0] =	vst v10;
	v10 =	vld [tilespmem:s15+$0x10]  }
0x1bf: {  	v13 =	vand.u32 $0x78, v4;
	v2 =	vld.idx.msk [tilespmem:v5+s17+$0x0], $0xffff;
	v5 =	vmov s16;
	v4 =	vand.u32 $0x7, v4;
	[tilespmem:s6+$0xFFFFFFD0] =	vst v7  }
0x1c0: {  	v13 =	vadd.s32 v1, v13;
	v7 =	vand.u32 $0x78, v5;
	v14 =	vld [tilespmem:s15+$0xFFFFFFF0];
	v15 =	vand.u32 $0x6, v5  }
0x1c1: {  	v5 =	vunpack.i.u.bf16.f32 v11;
	v13 =	vor.u32 v4, v13;
	v4 =	vunpack.i.l.bf16.f32 v11  }
0x1c2: {  	v16 =	vadd.s32 v1, v7;
	v7 =	vunpack.i.u.bf16.f32 v9;
	v11 =	vmul.f32 v4, v3  }
0x1c3: {  	s28 =	simm.s32 $0x14B38;
	s23 =	simm.s32 $0x16458;
	v9 =	vunpack.i.l.bf16.f32 v9;
	v17 =	vmul.f32 v5, v3;
	v4 =	vld.idx.msk [tilespmem:v6+s17+$0x0], $0xffff;
	v5 =	vunpack.i.u.bf16.f32 v10  }
0x1c4: {  	v6 =	vld [tilespmem:s28+$0x0];
	v18 =	vmul.f32 v9, v2;
	v9 =	vunpack.i.l.bf16.f32 v10;
	[tilespmem:s23+$0x0] =	vst v11;
	v19 =	vmul.f32 v5, v8  }
0x1c5: {  	s16 =	simm.s32 $0x7;
	v11 =	vmul.f32 v7, v2;
	[tilespmem:s23+$0x10] =	vst v17;
	v17 =	vunpack.i.u.bf16.f32 v14;
	v10 =	vunpack.i.l.bf16.f32 v14;
	v7 =	vld [tilespmem:s28+$0xFFFFFFE0]  }
0x1c6: {  	v14 =	vmov s16;
	v5 =	vld.idx.msk [tilespmem:v13+s17+$0x0], $0xffff;
	v10 =	vmul.f32 v10, v12;
	v13 =	vmul.f32 v9, v8;
	[tilespmem:s23+$0xFFFFFFC0] =	vst v18  }
0x1c7: {  	s15 =	simm.s32 $0x8;
	v9 =	vor.u32 v15, v16;
	v15 =	vand.u32 $0x78, v14;
	v8 =	vld [tilespmem:s10+$0x10];
	v12 =	vmul.f32 v17, v12;
	[tilespmem:s6+$0x30] =	vst v19  }
.LBB2_14:
0x1c8: {  	v16 =	vmov s15;
	p0 =	slt.u32 s15, $0x62;
	v14 =	vand.u32 $0x7, v14;
	v15 =	vadd.s32 v1, v15;
	[tilespmem:s23+$0xFFFFFFD0] =	vst v11  }
0x1c9: {  	v17 =	vmov v4;
	v11 =	vand.u32 $0x78, v16;
	v14 =	vor.u32 v14, v15;
	v15 =	vld [tilespmem:s10+$0xFFFFFFF0];
	[tilespmem:s6+$0x20] =	vst v13;
	s10 =	smov.u32 s28  }
0x1ca: {  	v16 =	vand.u32 $0x6, v16;
	v4 =	vunpack.i.l.bf16.f32 v6;
	v18 =	vadd.s32 v1, v11;
	[tilespmem:s6+$0xFFFFFFE0] =	vst v10  }
0x1cb: {  	v6 =	vunpack.i.u.bf16.f32 v6;
	v11 =	vmul.f32 v4, v5;
	v10 =	vunpack.i.u.bf16.f32 v7;
	[tilespmem:s6+$0xFFFFFFF0] =	vst v12;
	v12 =	vmovc v5;
	s6 =	smov.u32 s23  }
.Ltmp5:
0x1cc: {  	s28 =	sadd.s32 $0x40, s28;
	v5 =	vunpack.i.l.bf16.f32 v7;
	s23 =	sadd.s32 $0x80, s23;
	v4 =	vld.idx.msk [tilespmem:v9+s17+$0x0], $0xffff;
	v7 =	vmul.f32 v6, v12;
	v9 =	vunpack.i.u.bf16.f32 v8;
	(pc) =	sbr.rel @p0 .LBB2_14-.Ltmp5, $4  }
0x1cd: {  	v19 =	vmul.f32 v5, v17;
	v8 =	vunpack.i.l.bf16.f32 v8;
	v6 =	vld [tilespmem:s28+$0x0];
	[tilespmem:s23+$0x0] =	vst v11;
	v9 =	vmul.f32 v9, v3  }
0x1ce: {  	s16 =	sadd.s32 $0x1, s15;
	v11 =	vmul.f32 v10, v17;
	v5 =	vld.idx.msk [tilespmem:v14+s17+$0x0], $0xffff;
	[tilespmem:s23+$0x10] =	vst v7;
	v20 =	vunpack.i.u.bf16.f32 v15;
	v10 =	vunpack.i.l.bf16.f32 v15  }
0x1cf: {  	v13 =	vmul.f32 v8, v3;
	v3 =	vmovc v12;
	v14 =	vmov s16;
	v7 =	vld [tilespmem:s28+$0xFFFFFFE0];
	v10 =	vmul.f32 v10, v2;
	[tilespmem:s6+$0x30] =	vst v9  }
0x1d0: {  	s15 =	sadd.s32 $0x2, s15;
	v9 =	vor.u32 v16, v18;
	v15 =	vand.u32 $0x78, v14;
	v12 =	vmul.f32 v20, v2;
	v2 =	vmovc v17;
	[tilespmem:s23+$0xFFFFFFC0] =	vst v19;
	v8 =	vld [tilespmem:s10+$0x10]  }
0x1d1: {  	v14 =	vand.u32 $0x7, v14;
	v1 =	vadd.s32 v1, v15  }
0x1d2: {  	v1 =	vor.u32 v14, v1;
	_ =	sdelay $0x1  }
0x1d3: {  	[tilespmem:s23+$0xFFFFFFD0] =	vst v11  }
0x1d4: {  	[tilespmem:s6+$0x20] =	vst v13;
	s15 =	sadd.s32 $0x40, s28;
	v11 =	vunpack.i.l.bf16.f32 v6  }
0x1d5: {  	[tilespmem:s6+$0xFFFFFFE0] =	vst v10;
	v6 =	vunpack.i.u.bf16.f32 v6;
	v10 =	vmul.f32 v11, v5;
	v11 =	vld [tilespmem:s15+$0x0]  }
0x1d6: {  	[tilespmem:s6+$0xFFFFFFF0] =	vst v12;
	s6 =	sadd.s32 $0x80, s23;
	v6 =	vmul.f32 v6, v5;
	v13 =	vunpack.i.l.bf16.f32 v7;
	v12 =	vunpack.i.u.bf16.f32 v8;
	v1 =	vld.idx.msk [tilespmem:v1+s17+$0x0], $0xffff  }
0x1d7: {  	v7 =	vunpack.i.u.bf16.f32 v7;
	[tilespmem:s6+$0x0] =	vst v10;
	v13 =	vmul.f32 v13, v4;
	v10 =	vmul.f32 v12, v3;
	v12 =	vld [tilespmem:s15+$0xFFFFFFE0]  }
0x1d8: {  	v9 =	vld.idx.msk [tilespmem:v9+s17+$0x0], $0xffff;
	[tilespmem:s6+$0x10] =	vst v6;
	v7 =	vmul.f32 v7, v4  }
0x1d9: {  	v6 =	vld [tilespmem:s10+$0xFFFFFFF0];
	v8 =	vunpack.i.l.bf16.f32 v8;
	[tilespmem:s6+$0xFFFFFFC0] =	vst v13  }
0x1da: {  	v3 =	vmul.f32 v8, v3;
	[tilespmem:s6+$0xFFFFFFD0] =	vst v7;
	v8 =	vunpack.i.l.bf16.f32 v11  }
0x1db: {  	[tilespmem:s23+$0x30] =	vst v10;
	v10 =	vld [tilespmem:s28+$0x10];
	v7 =	vunpack.i.u.bf16.f32 v11;
	v8 =	vmul.f32 v8, v1  }
0x1dc: {  	s16 =	sadd.s32 $0x80, s6;
	[tilespmem:s23+$0x20] =	vst v3;
	v3 =	vunpack.i.l.bf16.f32 v12;
	v7 =	vmul.f32 v7, v1  }
0x1dd: {  	v11 =	vld [tilespmem:s28+$0xFFFFFFF0];
	v12 =	vunpack.i.u.bf16.f32 v12;
	v3 =	vmul.f32 v3, v9;
	[tilespmem:s16+$0x0] =	vst v8  }
0x1de: {  	v12 =	vmul.f32 v12, v9;
	v8 =	vunpack.i.l.bf16.f32 v6;
	[tilespmem:s16+$0x10] =	vst v7  }
0x1df: {  	v6 =	vunpack.i.u.bf16.f32 v6;
	[tilespmem:s16+$0xFFFFFFC0] =	vst v3;
	v7 =	vmul.f32 v8, v2;
	v3 =	vld [tilespmem:s15+$0x10]  }
0x1e0: {  	[tilespmem:s16+$0xFFFFFFD0] =	vst v12;
	v2 =	vmul.f32 v6, v2;
	v6 =	vunpack.i.u.bf16.f32 v10  }
0x1e1: {  	v8 =	vld [tilespmem:s15+$0xFFFFFFF0];
	v6 =	vmul.f32 v6, v5;
	[tilespmem:s23+$0xFFFFFFE0] =	vst v7;
	v7 =	vunpack.i.l.bf16.f32 v10  }
0x1e2: {  	[tilespmem:s23+$0xFFFFFFF0] =	vst v2;
	v2 =	vunpack.i.l.bf16.f32 v11;
	v5 =	vmul.f32 v7, v5  }
0x1e3: {  	v7 =	vunpack.i.u.bf16.f32 v11;
	v2 =	vmul.f32 v2, v4;
	[tilespmem:s6+$0x30] =	vst v6  }
0x1e4: {  	v4 =	vmul.f32 v7, v4;
	[tilespmem:s6+$0x20] =	vst v5;
	v5 =	vunpack.i.u.bf16.f32 v3  }
0x1e5: {  	[tilespmem:s6+$0xFFFFFFE0] =	vst v2;
	v2 =	vunpack.i.l.bf16.f32 v3;
	v3 =	vmul.f32 v5, v1  }
0x1e6: {  	[tilespmem:s6+$0xFFFFFFF0] =	vst v4;
	v4 =	vunpack.i.l.bf16.f32 v8;
	v1 =	vmul.f32 v2, v1  }
0x1e7: {  	s9 =	smul.u32 $0x1A0, s9;
	v2 =	vunpack.i.u.bf16.f32 v8;
	v4 =	vmul.f32 v4, v9;
	[tilespmem:s16+$0x30] =	vst v3  }
0x1e8: {  	v2 =	vmul.f32 v2, v9;
	[tilespmem:s16+$0x20] =	vst v1  }
0x1e9: {  	s6 =	sshra.s32 s9, $0x2;
	[tilespmem:s16+$0xFFFFFFE0] =	vst v4  }
0x1ea: {  	s15 =	smin.u32 s7, $0x23;
	s6 =	sadd.s32 $0x119D8, s6;
	v1 =	vmov s8;
	[tilespmem:s16+$0xFFFFFFF0] =	vst v2  }
0x1eb: {  	v1 =	vmul.u32 $0x68, v1;
	[spmem:s4] =	stream.indirect.scatter.add.f32 [tilespmem:s25], [sflag:$0x3], $0x40, s6, s18, $0x2000b8;
	[tilespmem:$0x1C918] =	vst v63  }
0x1ec: {  	s16 =	simm.s32 $0x1;
	s6 =	smul.u32 $0x1A0, s15  }
0x1ed: {  	v2 =	vmov s16;
	_ =	swait.ge [sflag:s26], $0xC80;
	v1 =	vbroadcast v1, $0x0  }
0x1ee: {  	s23 =	simm.s32 $0x0;
	v3 =	vand.u32 $0x78, v2;
	[sflag:s26] =	ssyncset.done $0x0;
	s6 =	sshrl.u32 s6, $0x2  }
0x1ef: {  	v4 =	vmov s23;
	v2 =	vand.u32 $0x7, v2;
	[sflag:s26] =	ssyncadd.s32 $0xFFFFF380;
	s6 =	sadd.s32 $0x12BB8, s6;
	v3 =	vadd.s32 v1, v3  }
0x1f0: {  	v5 =	vand.u32 $0x78, v4;
	[tilespmem:s19], [sflag:$0x1] =	stream.indirect.gather [spmem:s3], $0x20, s6, s18, $0x2000b8;
	v2 =	vor.u32 v2, v3;
	[tilespmem:$0x1C918] =	vst v63  }
0x1f1: {  	v3 =	vand.u32 $0x6, v4;
	v4 =	vadd.s32 v1, v5;
	_ =	swait.ge [sflag:s31], $0x1900  }
0x1f2: {  	v3 =	vor.u32 v3, v4;
	[sflag:s31] =	ssyncset.done $0x0  }
0x1f3: {  	s28 =	simm.s32 $0x15738;
	s9 =	simm.s32 $0x3;
	[sflag:s31] =	ssyncadd.s32 $0xFFFFE700  }
0x1f4: {  	v5 =	vmov s9;
	v4 =	vld [tilespmem:s28+$0x0]  }
0x1f5: {  	s10 =	simm.s32 $0x2;
	v8 =	vld.idx.msk [tilespmem:v2+s17+$0x0], $0xffff;
	v2 =	vand.u32 $0x78, v5  }
0x1f6: {  	v6 =	vmov s10;
	v7 =	vld [tilespmem:s28+$0xFFFFFFE0];
	v5 =	vand.u32 $0x7, v5;
	v2 =	vadd.s32 v1, v2  }
0x1f7: {  	v9 =	vand.u32 $0x78, v6;
	v12 =	vld.idx.msk [tilespmem:v3+s17+$0x0], $0xffff;
	v2 =	vor.u32 v5, v2  }
0x1f8: {  	v3 =	vand.u32 $0x6, v6;
	v5 =	vadd.s32 v1, v9  }
0x1f9: {  	v5 =	vor.u32 v3, v5;
	v3 =	vunpack.i.l.bf16.f32 v4  }
0x1fa: {  	s7 =	simm.s32 $0x15778;
	s15 =	simm.s32 $0x4;
	v4 =	vunpack.i.u.bf16.f32 v4;
	v3 =	vmul.f32 v3, v8  }
0x1fb: {  	s6 =	simm.s32 $0x17CD8;
	v11 =	vld [tilespmem:s7+$0x0];
	v6 =	vmov s15;
	v10 =	vunpack.i.l.bf16.f32 v7;
	v4 =	vmul.f32 v4, v8  }
0x1fc: {  	v9 =	vand.u32 $0x78, v6;
	v7 =	vunpack.i.u.bf16.f32 v7;
	v10 =	vmul.f32 v10, v12;
	[tilespmem:s6+$0x0] =	vst v3;
	v3 =	vld.idx.msk [tilespmem:v2+s17+$0x0], $0xffff  }
0x1fd: {  	s16 =	simm.s32 $0x5;
	v6 =	vand.u32 $0x6, v6;
	v7 =	vmul.f32 v7, v12;
	v2 =	vadd.s32 v1, v9;
	[tilespmem:s6+$0x10] =	vst v4;
	v9 =	vld [tilespmem:s7+$0xFFFFFFE0]  }
0x1fe: {  	s23 =	simm.s32 $0x6;
	v4 =	vmov s16;
	v6 =	vor.u32 v6, v2;
	[tilespmem:s6+$0xFFFFFFC0] =	vst v10;
	v10 =	vld [tilespmem:s28+$0x10]  }
0x1ff: {  	v13 =	vand.u32 $0x78, v4;
	v2 =	vld.idx.msk [tilespmem:v5+s17+$0x0], $0xffff;
	v5 =	vmov s23;
	v4 =	vand.u32 $0x7, v4;
	[tilespmem:s6+$0xFFFFFFD0] =	vst v7  }
0x200: {  	v13 =	vadd.s32 v1, v13;
	v7 =	vand.u32 $0x78, v5;
	v14 =	vld [tilespmem:s28+$0xFFFFFFF0];
	v15 =	vand.u32 $0x6, v5  }
0x201: {  	v5 =	vunpack.i.u.bf16.f32 v11;
	v13 =	vor.u32 v4, v13;
	v4 =	vunpack.i.l.bf16.f32 v11  }
0x202: {  	v16 =	vadd.s32 v1, v7;
	v7 =	vunpack.i.u.bf16.f32 v9;
	v11 =	vmul.f32 v4, v3  }
0x203: {  	s8 =	simm.s32 $0x17D58;
	s9 =	simm.s32 $0x157B8;
	v9 =	vunpack.i.l.bf16.f32 v9;
	v17 =	vmul.f32 v5, v3;
	v4 =	vld.idx.msk [tilespmem:v6+s17+$0x0], $0xffff;
	v5 =	vunpack.i.u.bf16.f32 v10  }
0x204: {  	v6 =	vld [tilespmem:s9+$0x0];
	v18 =	vmul.f32 v9, v2;
	v9 =	vunpack.i.l.bf16.f32 v10;
	[tilespmem:s8+$0x0] =	vst v11;
	v19 =	vmul.f32 v5, v8  }
0x205: {  	s28 =	simm.s32 $0x7;
	v11 =	vmul.f32 v7, v2;
	[tilespmem:s8+$0x10] =	vst v17;
	v17 =	vunpack.i.u.bf16.f32 v14;
	v10 =	vunpack.i.l.bf16.f32 v14;
	v7 =	vld [tilespmem:s9+$0xFFFFFFE0]  }
0x206: {  	v14 =	vmov s28;
	v5 =	vld.idx.msk [tilespmem:v13+s17+$0x0], $0xffff;
	v10 =	vmul.f32 v10, v12;
	v13 =	vmul.f32 v9, v8;
	[tilespmem:s8+$0xFFFFFFC0] =	vst v18  }
0x207: {  	s10 =	simm.s32 $0x8;
	v9 =	vor.u32 v15, v16;
	v15 =	vand.u32 $0x78, v14;
	v8 =	vld [tilespmem:s7+$0x10];
	v12 =	vmul.f32 v17, v12;
	[tilespmem:s6+$0x30] =	vst v19  }
.LBB2_16:
0x208: {  	v16 =	vmov s10;
	p0 =	slt.u32 s10, $0x62;
	v14 =	vand.u32 $0x7, v14;
	v15 =	vadd.s32 v1, v15;
	[tilespmem:s8+$0xFFFFFFD0] =	vst v11  }
0x209: {  	v17 =	vmov v4;
	v11 =	vand.u32 $0x78, v16;
	v14 =	vor.u32 v14, v15;
	v15 =	vld [tilespmem:s7+$0xFFFFFFF0];
	[tilespmem:s6+$0x20] =	vst v13;
	s7 =	smov.u32 s9  }
0x20a: {  	v16 =	vand.u32 $0x6, v16;
	v4 =	vunpack.i.l.bf16.f32 v6;
	v18 =	vadd.s32 v1, v11;
	[tilespmem:s6+$0xFFFFFFE0] =	vst v10  }
0x20b: {  	v6 =	vunpack.i.u.bf16.f32 v6;
	v11 =	vmul.f32 v4, v5;
	v10 =	vunpack.i.u.bf16.f32 v7;
	[tilespmem:s6+$0xFFFFFFF0] =	vst v12;
	v12 =	vmovc v5;
	s6 =	smov.u32 s8  }
.Ltmp6:
0x20c: {  	s9 =	sadd.s32 $0x40, s9;
	v5 =	vunpack.i.l.bf16.f32 v7;
	s8 =	sadd.s32 $0x80, s8;
	v4 =	vld.idx.msk [tilespmem:v9+s17+$0x0], $0xffff;
	v7 =	vmul.f32 v6, v12;
	v9 =	vunpack.i.u.bf16.f32 v8;
	(pc) =	sbr.rel @p0 .LBB2_16-.Ltmp6, $4  }
0x20d: {  	v19 =	vmul.f32 v5, v17;
	v8 =	vunpack.i.l.bf16.f32 v8;
	v6 =	vld [tilespmem:s9+$0x0];
	[tilespmem:s8+$0x0] =	vst v11;
	v9 =	vmul.f32 v9, v3  }
0x20e: {  	s15 =	sadd.s32 $0x1, s10;
	v11 =	vmul.f32 v10, v17;
	v5 =	vld.idx.msk [tilespmem:v14+s17+$0x0], $0xffff;
	[tilespmem:s8+$0x10] =	vst v7;
	v20 =	vunpack.i.u.bf16.f32 v15;
	v10 =	vunpack.i.l.bf16.f32 v15  }
0x20f: {  	v13 =	vmul.f32 v8, v3;
	v3 =	vmovc v12;
	v14 =	vmov s15;
	v7 =	vld [tilespmem:s9+$0xFFFFFFE0];
	v10 =	vmul.f32 v10, v2;
	[tilespmem:s6+$0x30] =	vst v9  }
0x210: {  	s10 =	sadd.s32 $0x2, s10;
	v9 =	vor.u32 v16, v18;
	v15 =	vand.u32 $0x78, v14;
	v12 =	vmul.f32 v20, v2;
	v2 =	vmovc v17;
	[tilespmem:s8+$0xFFFFFFC0] =	vst v19;
	v8 =	vld [tilespmem:s7+$0x10]  }
0x211: {  	v14 =	vand.u32 $0x7, v14;
	v1 =	vadd.s32 v1, v15  }
0x212: {  	v1 =	vor.u32 v14, v1  }
0x213: {  	[tilespmem:s8+$0xFFFFFFD0] =	vst v11;
	s10 =	sadd.s32 $0x40, s9  }
0x214: {  	[tilespmem:s6+$0x20] =	vst v13;
	v39 =	vunpack.i.l.bf16.f32 v6;
	v46 =	vld [tilespmem:s10+$0xFFFFFFE0]  }
0x215: {  	[tilespmem:s6+$0xFFFFFFE0] =	vst v10;
	v9 =	vld.idx.msk [tilespmem:v9+s17+$0x0], $0xffff;
	v40 =	vunpack.i.u.bf16.f32 v6;
	v41 =	vmul.f32 v39, v5  }
0x216: {  	s23 =	sadd.s32 $0x80, s8;
	v42 =	vld [tilespmem:s10+$0x0];
	[tilespmem:s6+$0xFFFFFFF0] =	vst v12;
	v6 =	vmul.f32 v40, v5;
	v44 =	vunpack.i.l.bf16.f32 v7  }
0x217: {  	v43 =	vunpack.i.u.bf16.f32 v8;
	[tilespmem:s23+$0x0] =	vst v41;
	v13 =	vmul.f32 v44, v4;
	v49 =	vunpack.i.l.bf16.f32 v8;
	v1 =	vld.idx.msk [tilespmem:v1+s17+$0x0], $0xffff  }
0x218: {  	v47 =	vunpack.i.u.bf16.f32 v7;
	[tilespmem:s23+$0x10] =	vst v6;
	v45 =	vmul.f32 v43, v3;
	v3 =	vmul.f32 v49, v3  }
0x219: {  	v48 =	vld [tilespmem:s7+$0xFFFFFFF0];
	v7 =	vmul.f32 v47, v4;
	[tilespmem:s23+$0xFFFFFFC0] =	vst v13;
	v12 =	vunpack.i.u.bf16.f32 v46  }
0x21a: {  	[tilespmem:s8+$0x20] =	vst v3;
	v3 =	vunpack.i.l.bf16.f32 v46;
	v12 =	vmul.f32 v12, v9  }
0x21b: {  	s28 =	sadd.s32 $0x80, s23;
	v51 =	vld [tilespmem:s9+$0x10];
	v50 =	vunpack.i.l.bf16.f32 v42;
	[tilespmem:s23+$0xFFFFFFD0] =	vst v7;
	v3 =	vmul.f32 v3, v9  }
0x21c: {  	v52 =	vunpack.i.u.bf16.f32 v42;
	[tilespmem:s28+$0xFFFFFFD0] =	vst v12;
	v8 =	vmul.f32 v50, v1  }
0x21d: {  	v53 =	vld [tilespmem:s9+$0xFFFFFFF0];
	[tilespmem:s28+$0xFFFFFFC0] =	vst v3;
	v7 =	vmul.f32 v52, v1  }
0x21e: {  	v54 =	vunpack.i.l.bf16.f32 v48;
	[tilespmem:s28+$0x0] =	vst v8  }
0x21f: {  	v6 =	vunpack.i.u.bf16.f32 v48;
	v55 =	vmul.f32 v54, v2;
	v58 =	vld [tilespmem:s10+$0xFFFFFFF0];
	[tilespmem:s28+$0x10] =	vst v7  }
0x220: {  	[tilespmem:s8+$0x30] =	vst v45;
	v2 =	vmul.f32 v6, v2;
	v56 =	vunpack.i.u.bf16.f32 v51;
	v3 =	vld [tilespmem:s10+$0x10]  }
0x221: {  	[tilespmem:s8+$0xFFFFFFE0] =	vst v55;
	v57 =	vunpack.i.l.bf16.f32 v51;
	v6 =	vmul.f32 v56, v5  }
0x222: {  	[tilespmem:s8+$0xFFFFFFF0] =	vst v2;
	v59 =	vmul.f32 v57, v5;
	v2 =	vunpack.i.l.bf16.f32 v53  }
0x223: {  	v60 =	vunpack.i.u.bf16.f32 v53;
	v2 =	vmul.f32 v2, v4;
	[tilespmem:s23+$0x30] =	vst v6  }
0x224: {  	v61 =	vmul.f32 v60, v4;
	[tilespmem:s23+$0x20] =	vst v59;
	v63 =	vunpack.i.l.bf16.f32 v58  }
0x225: {  	s2 =	sadd.s32 $0x1, s2;
	[tilespmem:s23+$0xFFFFFFE0] =	vst v2;
	v4 =	vmul.f32 v63, v9;
	v62 =	vunpack.i.u.bf16.f32 v3  }
0x226: {  	p0 =	sne.s32 s2, $0x13;
	[tilespmem:s23+$0xFFFFFFF0] =	vst v61;
	v2 =	vunpack.i.l.bf16.f32 v3;
	v3 =	vmul.f32 v62, v1  }
.Ltmp7:
0x227: {  	[tilespmem:s28+$0xFFFFFFE0] =	vst v4;
	v1 =	vmul.f32 v2, v1;
	v2 =	vunpack.i.u.bf16.f32 v58;
	(pc) =	sbr.rel @p0 .LBB2_13-.Ltmp7, $4  }
0x228: {  	v2 =	vmul.f32 v2, v9;
	[tilespmem:s28+$0x30] =	vst v3  }
0x229: {  	[tilespmem:s28+$0x20] =	vst v1  }
0x22a: {  	s0 =	sadd.s32 $0x119D8, s0;
	[tilespmem:s28+$0xFFFFFFF0] =	vst v2  }
0x22b: {  	[spmem:s4] =	stream.indirect.scatter.add.f32 [tilespmem:s5], [sflag:$0x4], $0x40, s0, s18, $0x2000b8;
	[tilespmem:$0x1C918] =	vst v63  }
0x22c: {  	_ =	swait.ge [sflag:s30], $0x1900  }
0x22d: {  	[sflag:s30] =	ssyncset.done $0x0  }
0x22e: {  	s14 =	sadd.s32 $0x1, s14;
	[sflag:s30] =	ssyncadd.s32 $0xFFFFE700  }
0x22f: {  	p0 =	sne.s32 s14, $0x5;
	_ =	swait.ge [sflag:s31], $0x1900  }
.Ltmp8:
0x230: {  	[sflag:s31] =	ssyncset.done $0x0;
	(pc) =	sbr.rel @p0 .LBB2_8-.Ltmp8, $4  }
0x231: {  	[sflag:s31] =	ssyncadd.s32 $0xFFFFE700  }
0x232: {  	_ =	swait.ge [sflag:s20], $0xC80  }
0x233: {  	[sflag:s20] =	ssyncset.done $0x0  }
0x234: {  	s23 =	simm.s32 $0x119D8;
	[sflag:s20] =	ssyncadd.s32 $0xFFFFF380  }
0x235: {  	[bflag:$0x0] =	sbarrier.arrive $0xFFFF  }
0x236: {  	_ =	strace $0x9000004B  }
0x237: {  	[bflag:$0x0] =	sbarrier.arrive $0xFFFF  }
0x238: {  	_ =	strace $0x8000004C  }
0x239: {  	s0 =	simm.s32 $0x0;
	s2 =	simm.s32 $0x1C8D8;
	s1 =	rddreg [dreg:$0xc]  }
0x23a: {  	[tilespmem:s2], [sflag:$0x5] =	stream.linear.gather [hbm4b:s1+s0], $0x40, $0x200038;
	[tilespmem:$0x1C918] =	vst v63  }
0x23b: {  	_ =	swait.ge [sflag:s29], $0x40  }
0x23c: {  	[sflag:s29] =	ssyncset.done $0x0  }
0x23d: {  	[sflag:s29] =	ssyncadd.s32 $0xFFFFFFC0  }
0x23e: {  	v2 =	vld [tilespmem:$0x1C8E8]  }
0x23f: {  	v3 =	vld [tilespmem:$0x1C8F8]  }
0x240: {  	v1 =	vld [tilespmem:$0x1C8D8]  }
0x241: {  	s16 =	simm.s32 $0x40;
	s15 =	rddreg [dreg:$0x8]  }
0x242: {  	s21 =	simm.s32 $0x80;
	s1 =	simm.s32 $0x0;
	v4 =	vld [tilespmem:$0x1C908];
	s14 =	rddreg [dreg:$0x3]  }
.LBB2_20:
0x243: {  	s2 =	smul.u32 $0xA0, s1;
	s6 =	sadd.s32 $0xFFFFFFFE, s0  }
0x244: {  	s7 =	sadd.s32 $0x2, s6  }
0x245: {  	s2 =	sadd.s32 s11, s2;
	v5 =	vmov s7  }
0x246: {  	s8 =	sshll.u32 s2, $0x6;
	v5 =	vand.u32 $0xFFFFFFFE, v5  }
0x247: {  	s9 =	sand.u32 $0x3FFFFFC0, s8;
	v5 =	vbroadcast v5, $0x0  }
0x248: {  	s7 =	sadd.s32 s9, s4  }
0x249: {  	[tilespmem:s12], [sflag:$0x5] =	stream.linear.gather [spmem:s7], $0x2800, $0x200038;
	[tilespmem:$0x1C918] =	vst v63  }
0x24a: {  	_ =	swait.ge [sflag:s29], $0x2800  }
0x24b: {  	s6 =	sadd.s32 $0x3, s6;
	[sflag:s29] =	ssyncset.done $0x0  }
0x24c: {  	v6 =	vmov s6;
	[sflag:s29] =	ssyncadd.s32 $0xFFFFD800  }
0x24d: {  	s6 =	simm.s32 $0xED18;
	v9 =	vld.idx.msk [tilespmem:v5+s13+$0x0], $0xffff  }
0x24e: {  	v11 =	vld [tilespmem:s6+$0xFFFFFFC0]  }
0x24f: {  	s10 =	sadd.s32 $0x0, s0  }
0x250: {  	s28 =	sadd.s32 $0x3, s10;
	s7 =	sadd.s32 $0x2, s10;
	v5 =	vld [tilespmem:s6+$0xFFFFFFF0]  }
0x251: {  	v8 =	vmov s28;
	v14 =	vmov s7;
	v6 =	vld.idx.msk [tilespmem:v6+s13+$0x0], $0xffff  }
0x252: {  	v14 =	vand.u32 $0xFFFFFFFE, v14;
	v12 =	vld [tilespmem:s6+$0xFFFFFFD0]  }
0x253: {  	v13 =	vld [tilespmem:s6+$0xFFFFFFE0];
	v16 =	vmul.f32 v11, v9;
	v11 =	vbroadcast v14, $0x0  }
0x254: {  	v10 =	vld [tilespmem:s6+$0x0]  }
0x255: {  	v7 =	vld [tilespmem:s6+$0x10];
	v15 =	vmul.f32 v5, v9  }
0x256: {  	v5 =	vld.idx.msk [tilespmem:v8+s13+$0x0], $0xffff  }
0x257: {  	v14 =	vmul.f32 v12, v9;
	v8 =	vld [tilespmem:s6+$0x20];
	v15 =	vadd.f32 v15, v4  }
0x258: {  	s8 =	simm.s32 $0xED18;
	s7 =	simm.s32 $0x2;
	v13 =	vmul.f32 v13, v9;
	v9 =	vld [tilespmem:s6+$0x30];
	v12 =	vadd.f32 v16, v1  }
.LBB2_21:
0x259: {  	s9 =	sadd.s32 s7, s0;
	s7 =	sadd.s32 $0x2, s7;
	v16 =	vld.idx.msk [tilespmem:v11+s13+$0x0], $0xffff;
	v11 =	vadd.f32 v14, v2;
	[tilespmem:s6+$0xFFFFFFF0] =	vst v15;
	v10 =	vmul.f32 v10, v6;
	s8 =	sadd.s32 $0x80, s8  }
0x25a: {  	s10 =	sadd.s32 $0x2, s9;
	s9 =	sadd.s32 $0x3, s9;
	p0 =	slt.u32 s7, $0x9E;
	v14 =	vld [tilespmem:s8+$0xFFFFFFF0];
	[tilespmem:s6+$0xFFFFFFC0] =	vst v12;
	v12 =	vadd.f32 v13, v3;
	v7 =	vmul.f32 v7, v6  }
0x25b: {  	v13 =	vmov s10;
	v15 =	vmov s9;
	v17 =	vld [tilespmem:s8+$0xFFFFFFC0];
	[tilespmem:s6+$0xFFFFFFD0] =	vst v11;
	v10 =	vadd.f32 v10, v1  }
0x25c: {  	v11 =	vand.u32 $0xFFFFFFFE, v13;
	v13 =	vld [tilespmem:s8+$0xFFFFFFD0];
	[tilespmem:s6+$0xFFFFFFE0] =	vst v12;
	v7 =	vadd.f32 v7, v2;
	v8 =	vmul.f32 v8, v6  }
0x25d: {  	v11 =	vbroadcast v11, $0x0;
	v18 =	vld [tilespmem:s8+$0xFFFFFFE0];
	[tilespmem:s6+$0x0] =	vst v10;
	v9 =	vmul.f32 v9, v6;
	v6 =	vmov v5  }
.Ltmp9:
0x25e: {  	v10 =	vld [tilespmem:s8+$0x0];
	[tilespmem:s6+$0x10] =	vst v7;
	v8 =	vadd.f32 v8, v3;
	(pc) =	sbr.rel @p0 .LBB2_21-.Ltmp9, $4  }
0x25f: {  	v12 =	vmul.f32 v14, v16;
	v7 =	vld [tilespmem:s8+$0x10];
	v9 =	vadd.f32 v9, v4  }
0x260: {  	v5 =	vld.idx.msk [tilespmem:v15+s13+$0x0], $0xffff;
	v17 =	vmul.f32 v17, v16;
	[tilespmem:s6+$0x20] =	vst v8  }
0x261: {  	v14 =	vmul.f32 v13, v16;
	v15 =	vadd.f32 v12, v4;
	v8 =	vld [tilespmem:s8+$0x20];
	[tilespmem:s6+$0x30] =	vst v9;
	s6 =	smov.u32 s8  }
0x262: {  	v12 =	vadd.f32 v17, v1;
	v13 =	vmul.f32 v18, v16;
	v9 =	vld [tilespmem:s8+$0x30]  }
0x263: {  	_ =	sdelay $0x3  }
0x264: {  	v11 =	vld.idx.msk [tilespmem:v11+s13+$0x0], $0xffff;
	s7 =	sadd.s32 $0x80, s8  }
0x265: {  	v16 =	vld [tilespmem:s7+$0xFFFFFFF0]  }
0x266: {  	v14 =	vadd.f32 v14, v2;
	[tilespmem:s6+$0xFFFFFFF0] =	vst v15;
	v10 =	vmul.f32 v10, v6;
	v52 =	vld [tilespmem:s7+$0xFFFFFFC0]  }
0x267: {  	[tilespmem:s6+$0xFFFFFFC0] =	vst v12;
	v53 =	vadd.f32 v13, v3;
	v7 =	vmul.f32 v7, v6;
	v54 =	vld [tilespmem:s7+$0xFFFFFFD0]  }
0x268: {  	v55 =	vld [tilespmem:s7+$0xFFFFFFE0];
	[tilespmem:s6+$0xFFFFFFD0] =	vst v14;
	v10 =	vadd.f32 v10, v1;
	v8 =	vmul.f32 v8, v6  }
0x269: {  	v56 =	vld [tilespmem:s7+$0x0];
	[tilespmem:s6+$0xFFFFFFE0] =	vst v53;
	v7 =	vadd.f32 v7, v2;
	v6 =	vmul.f32 v9, v6  }
0x26a: {  	v58 =	vld [tilespmem:s7+$0x10];
	[tilespmem:s6+$0x0] =	vst v10;
	v8 =	vadd.f32 v8, v3;
	v57 =	vmul.f32 v16, v11  }
0x26b: {  	v59 =	vld [tilespmem:s7+$0x20];
	[tilespmem:s6+$0x10] =	vst v7;
	v6 =	vadd.f32 v6, v4;
	v7 =	vmul.f32 v52, v11  }
0x26c: {  	v61 =	vld [tilespmem:s7+$0x30];
	v60 =	vmul.f32 v54, v11;
	[tilespmem:s6+$0x20] =	vst v8;
	v10 =	vadd.f32 v57, v4  }
0x26d: {  	[tilespmem:s6+$0x30] =	vst v6;
	v6 =	vadd.f32 v7, v1;
	v7 =	vmul.f32 v55, v11  }
0x26e: {  	v9 =	vmul.f32 v56, v5;
	v8 =	vadd.f32 v60, v2;
	[tilespmem:s7+$0xFFFFFFF0] =	vst v10  }
0x26f: {  	[tilespmem:s7+$0xFFFFFFC0] =	vst v6;
	v6 =	vadd.f32 v7, v3;
	v7 =	vmul.f32 v58, v5  }
0x270: {  	v63 =	vmul.f32 v59, v5;
	v62 =	vadd.f32 v9, v1;
	[tilespmem:s7+$0xFFFFFFD0] =	vst v8  }
0x271: {  	v5 =	vmul.f32 v61, v5;
	[tilespmem:s7+$0xFFFFFFE0] =	vst v6;
	v6 =	vadd.f32 v7, v2  }
0x272: {  	s2 =	sshll.u32 s2, $0x7;
	[tilespmem:s7+$0x0] =	vst v62;
	v7 =	vadd.f32 v63, v3  }
0x273: {  	s1 =	sadd.s32 $0x1, s1;
	s2 =	sor.u32 s24, s2;
	v5 =	vadd.f32 v5, v4;
	[tilespmem:s7+$0x10] =	vst v6  }
0x274: {  	p0 =	sne.s32 s1, $0x4;
	s2 =	sshrl.u32 s2, $0x3;
	[tilespmem:s7+$0x20] =	vst v7  }
.Ltmp10:
0x275: {  	s2 =	sadd.s32 s14, s2;
	[tilespmem:s7+$0x30] =	vst v5;
	(pc) =	sbr.rel @p0 .LBB2_20-.Ltmp10, $4  }
0x276: {  	[hbm4b:s2+s16] =	stream.strided.scatter [tilespmem:s12], [sflag:$0x5], $0x2800, s21, s16, $0x200038;
	[tilespmem:$0x1C918] =	vst v63  }
0x277: {  	_ =	swait.ge [sflag:s29], $0x2800  }
0x278: {  	[sflag:s29] =	ssyncset.done $0x0  }
0x279: {  	s0 =	sadd.s32 $0xA0, s0;
	[sflag:s29] =	ssyncadd.s32 $0xFFFFD800  }
0x27a: {  	s1 =	rddreg [dreg:$0x1a]  }
0x27b: {  	s0 =	rddreg [dreg:$0x18];
	s1 =	sadd.s32 $0x1, s1  }
0x27c: {  	p0 =	sne.s32 s1, s0  }
.Ltmp11:
0x27d: {  	_ = 	snop;
	(pc) =	sbr.rel @p0 .LBB2_1-.Ltmp11, $2  }
0x27e: {  	_ =	sdelay $0x2  }
0x27f: {  	_ =	strace $0x9000004C  }
0x280: {  	_ =	sfence.sel $0x180000  }
0x281: {  	[bflag:$0x0] =	sbarrier.arrive $0xFFFF  }
0x282: {  	_ =	strace $0x90000047  }
0x283: {  	s0 =	stileid.u32;
	[bflag:$0x2] =	sbarrier.arrive $0xFFFF  }
0x284: {  	p0 =	sne.s32 s0, $0x0;
	s0 =	rddreg [dreg:$0x7]  }
0x285: {  	s0 =	sadd.s32 @!p0 $0x100000, s0  }
0x286: {  	[sflag:s0] =	ssyncadd.tile.s32 @!p0 $0x1;
	_ =	shalt  }
.Lfunc_end2:
_tile_overlayer_lowered:
.L_overlay_start_2:
0x287: {  	(tag) =	ssettag $0x2  }
0x288: {  	s0 =	rddreg [dreg:$0x0];
	s2 =	stileid.u32  }
0x289: {  	s1 =	rddreg [dreg:$0x1];
	p0 =	sne.s32 s2, $0x0  }
0x28a: {  	s3 =	rddreg [dreg:$0x2];
	[bflag:$0x3] =	sbarrier.arrive $0xFFFF;
	s2 =	simm.s32 @!p0 $0x1C05  }
0x28b: {  	[timem:s3], [sflag:s2] =	dma.local @!p0 [hbm:s0], s1  }
0x28c: {  	s0 =	simm.s32 @!p0 $0x5  }
0x28d: {  	_ =	swait.ge @!p0 [sflag:s0], s1  }
0x28e: {  	s1 =	ssub.s32 @!p0 $0x0, s1;
	[sflag:s0] =	ssyncset.done @!p0 $0x0  }
0x28f: {  	[sflag:s0] =	ssyncadd.s32 @!p0 s1  }
0x290: {  	[bflag:$0x3] =	sbarrier.arrive $0xFFFF  }
0x291: {  	_ =	shalt  }

</sc_bundles>
